<compile_context>
chip_gen: v7x
topology: tpu7x:2x2x1
jax: 0.10.2.dev20260603
libtpu: 0.0.44.dev20260713+nightly
codegen_flags: <defaults>
</compile_context>

<pallas_src>
import jax
import jax.numpy as jnp
import numpy as np
from jax import lax
from jax.experimental import pallas as pl
from jax.experimental.pallas import tpu as pltpu
from jax.experimental.pallas import tpu_sc as plsc

SR = 22050
AUDIO_DURATION = 30
N_FFT = 1024
HOP = 256
INTERVAL = HOP / SR
FIXED_LEN = AUDIO_DURATION * SR // HOP + 1
N_SAMPLES = AUDIO_DURATION * SR
N_FRAMES = 1 + N_SAMPLES // HOP
N_FRAMES_PAD = 2592
NK = 512
NBINS = 88

F_BLK = 144
N_GRID = N_FRAMES_PAD // F_BLK

NTILES = 32
FPT = 81
STRIP_W = 82
STRIP_SZ = NBINS * STRIP_W
EPT = FPT * NK
NVEC = EPT // 16


def _host_consts():
    k = np.arange(N_FFT)
    win = (0.5 - 0.5 * np.cos(2.0 * np.pi * k / N_FFT)).astype(np.float32)
    wp = np.concatenate([win[-1:], win, win[:1]])
    dwin = np.gradient(wp)[1:-1].astype(np.float32)

    n = np.arange(N_FFT, dtype=np.float64)[:, None]
    kk = np.arange(NK, dtype=np.float64)[None, :]
    ang = 2.0 * np.pi * n * kk / N_FFT
    c, s = np.cos(ang), -np.sin(ang)
    m32 = np.concatenate(
        [win[:, None] * c, win[:, None] * s, dwin[:, None] * c, dwin[:, None] * s],
        axis=1,
    ).astype(np.float32)
    m_hi = m32.astype(jnp.bfloat16)
    m_lo = (m32 - m_hi.astype(np.float32)).astype(jnp.bfloat16)

    ratio = 1.059463094
    lowest = 27.5
    hz = [lowest * ratio ** i for i in range(89)]
    fb = np.array(
        [(x + y) / 2.0 for x, y in zip([lowest / ratio] + hz, hz)], dtype=np.float64
    ).astype(np.float32)

    tb = np.arange(0.0, AUDIO_DURATION, INTERVAL).astype(np.float32)
    t = np.arange(N_FRAMES).astype(np.float32) * np.float32(HOP / SR)
    nt = tb.shape[0] - 1
    ti = np.searchsorted(tb, t, side="right") - 1
    ti = np.where(t == tb[-1], nt - 1, ti)
    assert np.all((ti >= 0) & (ti <= nt - 1))

    tile_of = np.arange(N_FRAMES_PAD) // FPT
    ti_pad = np.concatenate([ti, 81 * tile_of[N_FRAMES:] - 1])
    tilocal = ti_pad - (FPT * tile_of - 1)
    assert np.all((tilocal >= 0) & (tilocal < STRIP_W))

    ub = fb.view(np.int32)
    mant = ub & np.int32(0x7FFFFF)
    mset = np.sort(
        np.array([np.bincount(mant[j::12]).argmax() for j in range(12)], dtype=np.int64)
    ).astype(np.int32)
    x3 = np.int32(ub[3] - 1)
    x82 = np.int32(ub[82])

    def cnt_fold(farr):
        farr = np.asarray(farr, np.float32)
        u = np.maximum(farr, np.float32(0.0)).view(np.int32)
        g = (u >> 23) * 12
        for mj in mset:
            g = g + ((u & np.int32(0x7FFFFF)) >= mj).astype(np.int32)
        return g - (u == x3).astype(np.int32) + (u == x82).astype(np.int32)

    g0s = cnt_fold(fb) - (np.arange(89) + 1)
    assert len(set(g0s.tolist())) == 1
    g0 = np.int32(g0s[0])
    chk = (np.concatenate([ub + d for d in range(-4, 5)])).view(np.float32)
    assert np.array_equal(
        np.clip(cnt_fold(chk) - g0, 0, 89),
        np.searchsorted(fb, chk, side="right").astype(np.int32),
    )

    return m_hi, m_lo, fb, tilocal.astype(np.int32), nt, mset, x3, x82, g0


(_M_HI, _M_LO, _FB, _TILOCAL, _NT, _MSET, _X3, _X82, _G0) = _host_consts()
_FB88 = np.float32(_FB[88])
_CORR_SCALE = np.float32(0.5 * SR / np.pi)
_FREQ_STEP = np.float32(SR / N_FFT)


def _k1_body(frame_base, yhbm, tloc, m_hi, m_lo, lin_ref, w_ref, ybuf, sems):
    pid = pl.program_id(0)
    rb = frame_base
    cur = lax.rem(pid, 2)
    nxt = lax.rem(pid + 1, 2)

    @pl.when(pid == 0)
    def _():
        pltpu.make_async_copy(
            yhbm.at[pl.ds(rb, F_BLK + 8)], ybuf.at[0], sems.at[0]
        ).start()

    @pl.when(pid + 1 < pl.num_programs(0))
    def _():
        pltpu.make_async_copy(
            yhbm.at[pl.ds(rb + (pid + 1) * F_BLK, F_BLK + 8)], ybuf.at[nxt], sems.at[nxt]
        ).start()

    pltpu.make_async_copy(
        yhbm.at[pl.ds(rb + pid * F_BLK, F_BLK + 8)], ybuf.at[cur], sems.at[cur]
    ).wait()

    yr = ybuf.at[cur]
    fr = jnp.concatenate(
        [yr[0:F_BLK], yr[1 : F_BLK + 1], yr[2 : F_BLK + 2], yr[3 : F_BLK + 3]],
        axis=1,
    )
    fr = jnp.clip(fr, -1.0, 1.0)
    a_hi = fr.astype(jnp.bfloat16)
    a_lo = (fr - a_hi.astype(jnp.float32)).astype(jnp.bfloat16)
    dn = (((1,), (0,)), ((), ()))
    s = lax.dot_general(a_hi, m_hi[...], dn, preferred_element_type=jnp.float32)
    s = s + lax.dot_general(a_hi, m_lo[...], dn, preferred_element_type=jnp.float32)
    s = s + lax.dot_general(a_lo, m_hi[...], dn, preferred_element_type=jnp.float32)
    shr = s[:, 0:NK]
    shi = s[:, NK : 2 * NK]
    sdr = s[:, 2 * NK : 3 * NK]
    sdi = s[:, 3 * NK : 4 * NK]

    mag2 = shr * shr + shi * shi
    mag = jnp.sqrt(mag2)
    num = sdi * shr - sdr * shi
    corr = (-num / jnp.maximum(mag2, np.float32(1e-30))) * _CORR_SCALE
    kidx = lax.broadcasted_iota(jnp.int32, (F_BLK, NK), 1)
    fftf = kidx.astype(jnp.float32) * _FREQ_STEP
    f = jnp.where(mag2 > np.float32(0.0), fftf + corr, fftf)

    u = lax.bitcast_convert_type(jnp.maximum(f, np.float32(0.0)), jnp.int32)
    m = u & np.int32(0x7FFFFF)
    cnt = (u >> 23) * np.int32(12) - _G0
    for mj in _MSET:
        cnt = cnt + (m >= np.int32(mj)).astype(jnp.int32)
    cnt = cnt - (u == _X3).astype(jnp.int32) + (u == _X82).astype(jnp.int32)
    validf = (cnt >= 1) & ((cnt <= NBINS) | (f == _FB88))
    rowg = lax.broadcasted_iota(jnp.int32, (F_BLK, NK), 0) + pl.program_id(0) * F_BLK + frame_base
    validf = validf & (rowg < N_FRAMES)
    fi = jnp.clip(cnt - 1, 0, NBINS - 1)
    wgt = jnp.where(validf, mag, np.float32(0.0))

    tl = tloc[...][:, 0:1]
    lin_ref[...] = jnp.where(validf, fi * STRIP_W + tl, kidx & 15)
    w_ref[...] = wgt


N_HALF = N_FRAMES_PAD // 2


def _build_k1(frame_base, interpret=False):
    import functools
    gb = frame_base // F_BLK
    return pl.pallas_call(
        functools.partial(_k1_body, frame_base),
        grid=(N_HALF // F_BLK,),
        in_specs=[
            pl.BlockSpec(memory_space=pl.ANY),
            pl.BlockSpec((F_BLK, 128), lambda i: (i + gb, 0)),
            pl.BlockSpec((N_FFT, 4 * NK), lambda i: (0, 0)),
            pl.BlockSpec((N_FFT, 4 * NK), lambda i: (0, 0)),
        ],
        out_specs=[
            pl.BlockSpec((F_BLK, NK), lambda i: (i, 0)),
            pl.BlockSpec((F_BLK, NK), lambda i: (i, 0)),
        ],
        out_shape=[
            jax.ShapeDtypeStruct((N_HALF, NK), jnp.int32),
            jax.ShapeDtypeStruct((N_HALF, NK), jnp.float32),
        ],
        scratch_shapes=[
            pltpu.VMEM((2, F_BLK + 8, HOP), jnp.float32),
            pltpu.SemaphoreType.DMA((2,)),
        ],
        interpret=interpret,
    )


HEPT = EPT // 2


def _k2_body(lin_hbm, w_hbm, out_hbm, idx_v, wv_v, hist_v, s1, s2):
    c = lax.axis_index("c")
    s = lax.axis_index("s")
    wid = s * 2 + c
    e0 = (wid >> 1) * EPT + (wid & 1) * HEPT

    cp1 = pltpu.make_async_copy(lin_hbm.at[pl.ds(e0, HEPT)], idx_v, s1)
    cp2 = pltpu.make_async_copy(w_hbm.at[pl.ds(e0, HEPT)], wv_v, s2)
    cp1.start()
    cp2.start()

    def zero(i, _):
        hist_v[pl.ds(i * 16, 16)] = jnp.zeros((16,), jnp.float32)
        return 0

    lax.fori_loop(0, STRIP_SZ // 16, zero, 0)

    cp1.wait()
    cp2.wait()

    def body(i, _):
        for j in range(8):
            b = i * 128 + j * 16
            ii = idx_v[pl.ds(b, 16)]
            vv = wv_v[pl.ds(b, 16)]
            plsc.addupdate_scatter(hist_v, [ii], vv)
        return 0

    lax.fori_loop(0, HEPT // 128, body, 0)

    pltpu.sync_copy(hist_v, out_hbm.at[wid])


def _build_k2(interpret=False):
    mesh = plsc.VectorSubcoreMesh(core_axis_name="c", subcore_axis_name="s")
    return pl.kernel(
        _k2_body,
        out_type=jax.ShapeDtypeStruct((NTILES, STRIP_SZ), jnp.float32),
        mesh=mesh,
        scratch_types=[
            pltpu.VMEM((HEPT,), jnp.int32),
            pltpu.VMEM((HEPT,), jnp.float32),
            pltpu.VMEM((STRIP_SZ,), jnp.float32),
            pltpu.SemaphoreType.DMA,
            pltpu.SemaphoreType.DMA,
        ],
        compiler_params=pltpu.CompilerParams(needs_layout_passes=False),
        interpret=interpret,
    )


def _k3_body(sa, sb, out_ref, acc):
    acc[...] = jnp.zeros(acc.shape, jnp.float32)
    for t in range(NTILES):
        o = FPT * (t >> 1)
        acc[:, o : o + STRIP_W] += sa[:, t * STRIP_W : (t + 1) * STRIP_W]
    for t in range(NTILES):
        o = FPT * (16 + (t >> 1))
        acc[:, o : o + STRIP_W] += sb[:, t * STRIP_W : (t + 1) * STRIP_W]
    m = jnp.max(acc[:, 1 : _NT + 1])
    inv = np.float32(1.0) / jnp.maximum(m, np.float32(1e-12))
    out_ref[:, 0:_NT] = acc[:, 1 : _NT + 1] * inv
    out_ref[:, _NT : _NT + 1] = acc[:, _NT : _NT + 1] * inv


def _build_k3(interpret=False):
    return pl.pallas_call(
        _k3_body,
        in_specs=[
            pl.BlockSpec((NBINS, NTILES * STRIP_W), lambda: (0, 0)),
            pl.BlockSpec((NBINS, NTILES * STRIP_W), lambda: (0, 0)),
        ],
        out_specs=pl.BlockSpec((NBINS, FIXED_LEN), lambda: (0, 0)),
        out_shape=jax.ShapeDtypeStruct((NBINS, FIXED_LEN), jnp.float32),
        scratch_shapes=[pltpu.VMEM((NBINS, 2624), jnp.float32)],
        interpret=interpret,
    )


@jax.jit
def kernel(waveform):
    y = waveform
    if y.ndim > 1:
        y = jnp.mean(y, axis=0)
    nrow = N_FRAMES_PAD + 8
    ypad = jnp.pad(y, (N_FFT // 2, nrow * HOP - N_SAMPLES - N_FFT // 2))
    y2d = ypad.reshape(nrow, HOP)
    tloc = jnp.asarray(np.broadcast_to(_TILOCAL[:, None], (N_FRAMES_PAD, 128)).copy())

    mh, ml = jnp.asarray(_M_HI), jnp.asarray(_M_LO)

    def tsp(st):
        return st.reshape(NTILES, NBINS, STRIP_W).transpose(1, 0, 2).reshape(
            NBINS, NTILES * STRIP_W
        )

    lin_a, w_a = _build_k1(0)(y2d, tloc, mh, ml)
    strips_a = _build_k2()(lin_a.reshape(-1), w_a.reshape(-1))
    lin_b, w_b = _build_k1(N_HALF)(y2d, tloc, mh, ml)
    strips_b = _build_k2()(lin_b.reshape(-1), w_b.reshape(-1))
    return _build_k3()(tsp(strips_a), tsp(strips_b))

# --- scband reference (transcript-rebuilt; emitter-appended) ---
"""Pipeline reference for scband-reassigned-12876311953633 (READ-ONLY COPY).

The authoritative reference and input builder live on the scoring server;
editing this copy changes nothing except your own understanding.
"""

import jax, jax.numpy as jnp
import numpy as np

SR = 22050
AUDIO_DURATION = 30
N_FFT = 1024
WIN_LENGTH = 1024
HOP = 256
INTERVAL = HOP / SR
FIXED_LEN = AUDIO_DURATION * SR // HOP + 1  # 2584


def _hann_periodic(n):
    k = np.arange(n)
    return (0.5 - 0.5 * np.cos(2.0 * np.pi * k / n)).astype(np.float32)


def _cyclic_gradient(w):
    wp = np.concatenate([w[-1:], w, w[:1]])
    return np.gradient(wp)[1:-1].astype(np.float32)


def _piano_freq_bins():
    ratio = 1.059463094
    lowest = 27.5
    hz = [lowest * ratio ** i for i in range(89)]
    return np.array([(x + y) / 2.0 for x, y in zip([lowest / ratio] + hz, hz)], dtype=np.float64)


def setup_inputs(seed: int = 0) -> dict:
    key = jax.random.key(seed)
    waveform = jax.random.normal(key, (AUDIO_DURATION * SR,), dtype=jnp.float32)
    return {"waveform": waveform}


def _forward(waveform):
    y = waveform
    if y.ndim > 1:  # Mono()
        y = jnp.mean(y, axis=0)
    y = jnp.clip(y, -1.0, 1.0)  # Clamp.one()

    window = jnp.asarray(_hann_periodic(WIN_LENGTH))
    dwindow = jnp.asarray(_cyclic_gradient(_hann_periodic(WIN_LENGTH)))

    pad = N_FFT // 2
    ypad = jnp.pad(y, (pad, pad))
    n_frames = 1 + y.shape[0] // HOP
    idx = jnp.arange(n_frames)[:, None] * HOP + jnp.arange(N_FFT)[None, :]
    frames = ypad[idx]  # (n_frames, n_fft) gather

    S_h = jnp.fft.rfft(frames * window[None, :], axis=1)
    S_dh = jnp.fft.rfft(frames * dwindow[None, :], axis=1)

    mag = jnp.abs(S_h)
    mag2 = S_h.real ** 2 + S_h.imag ** 2
    fft_freqs = jnp.asarray(np.fft.rfftfreq(N_FFT, d=1.0 / SR).astype(np.float32))
    corr = -(S_dh * jnp.conj(S_h)).imag / jnp.maximum(mag2, 1e-30) * (0.5 * SR / np.pi)
    freqs = fft_freqs[None, :] + corr
    freqs = jnp.where(mag2 > 0, freqs, fft_freqs[None, :])  # fill_nan=True

    frame_times = jnp.arange(n_frames, dtype=jnp.float32) * (HOP / SR)  # reassign_times=False
    times = jnp.broadcast_to(frame_times[:, None], S_h.shape)

    tb = jnp.asarray(np.arange(0.0, AUDIO_DURATION, INTERVAL).astype(np.float32))
    fb = jnp.asarray(_piano_freq_bins().astype(np.float32))
    nt = tb.shape[0] - 1
    nf = fb.shape[0] - 1

    t = times.reshape(-1)
    f = freqs.reshape(-1)
    w = mag.reshape(-1)

    ti = jnp.searchsorted(tb, t, side='right') - 1
    fi = jnp.searchsorted(fb, f, side='right') - 1
    ti = jnp.where(t == tb[-1], nt - 1, ti)  # rightmost edge inclusive
    fi = jnp.where(f == fb[-1], nf - 1, fi)
    valid = (ti >= 0) & (ti <= nt - 1) & (fi >= 0) & (fi <= nf - 1)
    lin = jnp.where(valid, ti * nf + fi, 0)
    wv = jnp.where(valid, w, 0.0)
    h = jnp.zeros(nt * nf, dtype=jnp.float32).at[lin].add(wv).reshape(nt, nf)

    h = h.T  # (n_freq_bins=88, n_time_bins)

    # TrimOrPad(target_length=FIXED_LEN, mode='replicate') along time axis
    T = h.shape[1]
    if T >= FIXED_LEN:
        h = h[:, :FIXED_LEN]
    else:
        h = jnp.pad(h, ((0, 0), (0, FIXED_LEN - T)), mode='edge')

    # Scale.one(): normalize to [0, 1]
    h = h / jnp.maximum(jnp.max(h), 1e-12)
    return h


def reference(waveform):
    return _forward(waveform)

if __name__ == "__main__":
    import jax
    _d = setup_inputs()
    print(jax.jit(kernel)(*tuple(_d.values())))

</pallas_src>

<mosaic_0001>
#map = affine_map<(d0, d1) -> (0)>
#map1 = affine_map<(d0, d1) -> (0, 0)>
module attributes {stable_mosaic.version = 14 : i64} {
  func.func @_k2_body(%arg0: i32, %arg1: i32, %arg2: memref<663552xi32, #tpu.memory_space<hbm>>, %arg3: memref<663552xf32, #tpu.memory_space<hbm>>, %arg4: memref<32x7216xf32, #tpu.memory_space<hbm>>, %arg5: memref<20736xi32, #tpu.memory_space<vmem>>, %arg6: memref<20736xf32, #tpu.memory_space<vmem>>, %arg7: memref<7216xf32, #tpu.memory_space<vmem>>, %arg8: memref<!tpu.dma_semaphore, #tpu.memory_space<semaphore_mem>>, %arg9: memref<!tpu.dma_semaphore, #tpu.memory_space<semaphore_mem>>) attributes {dimension_semantics = [#tpu.dimension_semantics<core_parallel>, #tpu.dimension_semantics<subcore_parallel>], iteration_bounds = array<i64: 2, 16>, scalar_prefetch = 0 : i64, scratch_operands = 5 : i64, tpu.core_type = #tpu.core_type<sc_vector_subcore>, window_params = [{transform_indices = #map}, {transform_indices = #map}, {transform_indices = #map1}]} {
    %mul3A = arith.constant 2 : i32
    %mul3A_0 = arith.muli %arg1, %mul3A : i32
    %add3A = arith.addi %mul3A_0, %arg0 : i32
    %shift_right_arithmetic3A = arith.constant 1 : i32
    %shift_right_arithmetic3A_1 = arith.shrsi %add3A, %shift_right_arithmetic3A : i32
    %mul3A_2 = arith.constant 41472 : i32
    %mul3A_3 = arith.muli %shift_right_arithmetic3A_1, %mul3A_2 : i32
    %and3A = arith.constant 1 : i32
    %and3A_4 = arith.andi %add3A, %and3A : i32
    %mul3A_5 = arith.constant 20736 : i32
    %mul3A_6 = arith.muli %and3A_4, %mul3A_5 : i32
    %add3A_7 = arith.addi %mul3A_3, %mul3A_6 : i32
    %dma_start3A = tpu.memref_slice %arg2[%add3A_7] : memref<663552xi32, #tpu.memory_space<hbm>> -> memref<20736xi32, #tpu.memory_space<hbm>>
    %dma_start3A_8 = tpu.memref_slice %arg2[%add3A_7] : memref<663552xi32, #tpu.memory_space<hbm>> -> memref<20736xi32, #tpu.memory_space<hbm>>
    tpu.enqueue_dma source(%dma_start3A_8 : memref<20736xi32, #tpu.memory_space<hbm>>) target(%arg5 : memref<20736xi32, #tpu.memory_space<vmem>>) target_semaphore(%arg8 : memref<!tpu.dma_semaphore, #tpu.memory_space<semaphore_mem>>)
    %dma_start3A_9 = tpu.memref_slice %arg3[%add3A_7] : memref<663552xf32, #tpu.memory_space<hbm>> -> memref<20736xf32, #tpu.memory_space<hbm>>
    %dma_start3A_10 = tpu.memref_slice %arg3[%add3A_7] : memref<663552xf32, #tpu.memory_space<hbm>> -> memref<20736xf32, #tpu.memory_space<hbm>>
    tpu.enqueue_dma source(%dma_start3A_10 : memref<20736xf32, #tpu.memory_space<hbm>>) target(%arg6 : memref<20736xf32, #tpu.memory_space<vmem>>) target_semaphore(%arg9 : memref<!tpu.dma_semaphore, #tpu.memory_space<semaphore_mem>>)
    %scan3A = arith.constant 0 : i32
    %scan3A_11 = arith.constant 0 : i32
    %scan3A_12 = arith.constant 451 : i32
    %scan3A_13 = arith.addi %scan3A_11, %scan3A_12 : i32
    %scan3A_14 = arith.constant 1 : i32
    %scan3A_15 = scf.for %scan3A_27 = %scan3A_11 to %scan3A_13 step %scan3A_14 iter_args(%scan3A_28 = %scan3A) -> (i32)  : i32 {
      %broadcast_in_dim3A = arith.constant 0.000000e+00 : f32
      %broadcast_in_dim3A_29 = vector.broadcast %broadcast_in_dim3A : f32 to vector<16xf32>
      %mul3A_30 = arith.constant 16 : i32
      %mul3A_31 = arith.muli %scan3A_27, %mul3A_30 : i32
      %swap3A = arith.index_cast %mul3A_31 : i32 to index
      %swap3A_32 = tpu.vector_load %arg7[%swap3A] {strides = array<i32>} : memref<7216xf32, #tpu.memory_space<vmem>>, vector<16xf32>,
      tpu.vector_store %arg7[%swap3A], %broadcast_in_dim3A_29 {strides = array<i32>} : memref<7216xf32, #tpu.memory_space<vmem>>, vector<16xf32>,
      %scan3A_33 = arith.constant 0 : i32
      scf.yield %scan3A_33 : i32
    }
    %scan3A_16 = arith.constant 451 : i32
    %dma_wait3A = tpu.memref_slice %arg2[%add3A_7] : memref<663552xi32, #tpu.memory_space<hbm>> -> memref<20736xi32, #tpu.memory_space<hbm>>
    %dma_wait3A_17 = tpu.memref_slice %arg2[%add3A_7] : memref<663552xi32, #tpu.memory_space<hbm>> -> memref<20736xi32, #tpu.memory_space<hbm>>
    tpu.wait_dma2 semaphore(%arg8 : memref<!tpu.dma_semaphore, #tpu.memory_space<semaphore_mem>>) src(%dma_wait3A_17 : memref<20736xi32, #tpu.memory_space<hbm>>) dst(%arg5 : memref<20736xi32, #tpu.memory_space<vmem>>)
    %dma_wait3A_18 = tpu.memref_slice %arg3[%add3A_7] : memref<663552xf32, #tpu.memory_space<hbm>> -> memref<20736xf32, #tpu.memory_space<hbm>>
    %dma_wait3A_19 = tpu.memref_slice %arg3[%add3A_7] : memref<663552xf32, #tpu.memory_space<hbm>> -> memref<20736xf32, #tpu.memory_space<hbm>>
    tpu.wait_dma2 semaphore(%arg9 : memref<!tpu.dma_semaphore, #tpu.memory_space<semaphore_mem>>) src(%dma_wait3A_19 : memref<20736xf32, #tpu.memory_space<hbm>>) dst(%arg6 : memref<20736xf32, #tpu.memory_space<vmem>>)
    %scan3A_20 = arith.constant 0 : i32
    %scan3A_21 = arith.constant 0 : i32
    %scan3A_22 = arith.constant 162 : i32
    %scan3A_23 = arith.addi %scan3A_21, %scan3A_22 : i32
    %scan3A_24 = arith.constant 1 : i32
    %scan3A_25 = scf.for %scan3A_27 = %scan3A_21 to %scan3A_23 step %scan3A_24 iter_args(%scan3A_28 = %scan3A_20) -> (i32)  : i32 {
      %mul3A_29 = arith.constant 128 : i32
      %mul3A_30 = arith.muli %scan3A_27, %mul3A_29 : i32
      %add3A_31 = arith.constant 0 : i32
      %add3A_32 = arith.addi %mul3A_30, %add3A_31 : i32
      %get3A = arith.index_cast %add3A_32 : i32 to index
      %get3A_33 = tpu.vector_load %arg5[%get3A] {strides = array<i32>} : memref<20736xi32, #tpu.memory_space<vmem>>, vector<16xi32>,
      %get3A_34 = arith.index_cast %add3A_32 : i32 to index
      %get3A_35 = tpu.vector_load %arg6[%get3A_34] {strides = array<i32>} : memref<20736xf32, #tpu.memory_space<vmem>>, vector<16xf32>,
      tpu.vector_store_idx %arg7[%get3A_33], %get3A_35 {add = true} : memref<7216xf32, #tpu.memory_space<vmem>>[vector<16xi32>], vector<16xf32>,
      %mul3A_36 = arith.constant 128 : i32
      %mul3A_37 = arith.muli %scan3A_27, %mul3A_36 : i32
      %add3A_38 = arith.constant 16 : i32
      %add3A_39 = arith.addi %mul3A_37, %add3A_38 : i32
      %get3A_40 = arith.index_cast %add3A_39 : i32 to index
      %get3A_41 = tpu.vector_load %arg5[%get3A_40] {strides = array<i32>} : memref<20736xi32, #tpu.memory_space<vmem>>, vector<16xi32>,
      %get3A_42 = arith.index_cast %add3A_39 : i32 to index
      %get3A_43 = tpu.vector_load %arg6[%get3A_42] {strides = array<i32>} : memref<20736xf32, #tpu.memory_space<vmem>>, vector<16xf32>,
      tpu.vector_store_idx %arg7[%get3A_41], %get3A_43 {add = true} : memref<7216xf32, #tpu.memory_space<vmem>>[vector<16xi32>], vector<16xf32>,
      %mul3A_44 = arith.constant 128 : i32
      %mul3A_45 = arith.muli %scan3A_27, %mul3A_44 : i32
      %add3A_46 = arith.constant 32 : i32
      %add3A_47 = arith.addi %mul3A_45, %add3A_46 : i32
      %get3A_48 = arith.index_cast %add3A_47 : i32 to index
      %get3A_49 = tpu.vector_load %arg5[%get3A_48] {strides = array<i32>} : memref<20736xi32, #tpu.memory_space<vmem>>, vector<16xi32>,
      %get3A_50 = arith.index_cast %add3A_47 : i32 to index
      %get3A_51 = tpu.vector_load %arg6[%get3A_50] {strides = array<i32>} : memref<20736xf32, #tpu.memory_space<vmem>>, vector<16xf32>,
      tpu.vector_store_idx %arg7[%get3A_49], %get3A_51 {add = true} : memref<7216xf32, #tpu.memory_space<vmem>>[vector<16xi32>], vector<16xf32>,
      %mul3A_52 = arith.constant 128 : i32
      %mul3A_53 = arith.muli %scan3A_27, %mul3A_52 : i32
      %add3A_54 = arith.constant 48 : i32
      %add3A_55 = arith.addi %mul3A_53, %add3A_54 : i32
      %get3A_56 = arith.index_cast %add3A_55 : i32 to index
      %get3A_57 = tpu.vector_load %arg5[%get3A_56] {strides = array<i32>} : memref<20736xi32, #tpu.memory_space<vmem>>, vector<16xi32>,
      %get3A_58 = arith.index_cast %add3A_55 : i32 to index
      %get3A_59 = tpu.vector_load %arg6[%get3A_58] {strides = array<i32>} : memref<20736xf32, #tpu.memory_space<vmem>>, vector<16xf32>,
      tpu.vector_store_idx %arg7[%get3A_57], %get3A_59 {add = true} : memref<7216xf32, #tpu.memory_space<vmem>>[vector<16xi32>], vector<16xf32>,
      %mul3A_60 = arith.constant 128 : i32
      %mul3A_61 = arith.muli %scan3A_27, %mul3A_60 : i32
      %add3A_62 = arith.constant 64 : i32
      %add3A_63 = arith.addi %mul3A_61, %add3A_62 : i32
      %get3A_64 = arith.index_cast %add3A_63 : i32 to index
      %get3A_65 = tpu.vector_load %arg5[%get3A_64] {strides = array<i32>} : memref<20736xi32, #tpu.memory_space<vmem>>, vector<16xi32>,
      %get3A_66 = arith.index_cast %add3A_63 : i32 to index
      %get3A_67 = tpu.vector_load %arg6[%get3A_66] {strides = array<i32>} : memref<20736xf32, #tpu.memory_space<vmem>>, vector<16xf32>,
      tpu.vector_store_idx %arg7[%get3A_65], %get3A_67 {add = true} : memref<7216xf32, #tpu.memory_space<vmem>>[vector<16xi32>], vector<16xf32>,
      %mul3A_68 = arith.constant 128 : i32
      %mul3A_69 = arith.muli %scan3A_27, %mul3A_68 : i32
      %add3A_70 = arith.constant 80 : i32
      %add3A_71 = arith.addi %mul3A_69, %add3A_70 : i32
      %get3A_72 = arith.index_cast %add3A_71 : i32 to index
      %get3A_73 = tpu.vector_load %arg5[%get3A_72] {strides = array<i32>} : memref<20736xi32, #tpu.memory_space<vmem>>, vector<16xi32>,
      %get3A_74 = arith.index_cast %add3A_71 : i32 to index
      %get3A_75 = tpu.vector_load %arg6[%get3A_74] {strides = array<i32>} : memref<20736xf32, #tpu.memory_space<vmem>>, vector<16xf32>,
      tpu.vector_store_idx %arg7[%get3A_73], %get3A_75 {add = true} : memref<7216xf32, #tpu.memory_space<vmem>>[vector<16xi32>], vector<16xf32>,
      %mul3A_76 = arith.constant 128 : i32
      %mul3A_77 = arith.muli %scan3A_27, %mul3A_76 : i32
      %add3A_78 = arith.constant 96 : i32
      %add3A_79 = arith.addi %mul3A_77, %add3A_78 : i32
      %get3A_80 = arith.index_cast %add3A_79 : i32 to index
      %get3A_81 = tpu.vector_load %arg5[%get3A_80] {strides = array<i32>} : memref<20736xi32, #tpu.memory_space<vmem>>, vector<16xi32>,
      %get3A_82 = arith.index_cast %add3A_79 : i32 to index
      %get3A_83 = tpu.vector_load %arg6[%get3A_82] {strides = array<i32>} : memref<20736xf32, #tpu.memory_space<vmem>>, vector<16xf32>,
      tpu.vector_store_idx %arg7[%get3A_81], %get3A_83 {add = true} : memref<7216xf32, #tpu.memory_space<vmem>>[vector<16xi32>], vector<16xf32>,
      %mul3A_84 = arith.constant 128 : i32
      %mul3A_85 = arith.muli %scan3A_27, %mul3A_84 : i32
      %add3A_86 = arith.constant 112 : i32
      %add3A_87 = arith.addi %mul3A_85, %add3A_86 : i32
      %get3A_88 = arith.index_cast %add3A_87 : i32 to index
      %get3A_89 = tpu.vector_load %arg5[%get3A_88] {strides = array<i32>} : memref<20736xi32, #tpu.memory_space<vmem>>, vector<16xi32>,
      %get3A_90 = arith.index_cast %add3A_87 : i32 to index
      %get3A_91 = tpu.vector_load %arg6[%get3A_90] {strides = array<i32>} : memref<20736xf32, #tpu.memory_space<vmem>>, vector<16xf32>,
      tpu.vector_store_idx %arg7[%get3A_89], %get3A_91 {add = true} : memref<7216xf32, #tpu.memory_space<vmem>>[vector<16xi32>], vector<16xf32>,
      %scan3A_92 = arith.constant 0 : i32
      scf.yield %scan3A_92 : i32
    }
    %scan3A_26 = arith.constant 162 : i32
    "tpu.region"() ({
      %run_scoped3A = tpu.sem_alloc : memref<!tpu.dma_semaphore, #tpu.memory_space<semaphore_mem>>
      %dma_start3A_27 = arith.constant 0 : i32
      %dma_start3A_28 = tpu.memref_slice %arg4[%add3A, %dma_start3A_27] : memref<32x7216xf32, #tpu.memory_space<hbm>> -> memref<1x7216xf32, #tpu.memory_space<hbm>>
      %dma_start3A_29 = tpu.memref_squeeze %dma_start3A_28 : memref<1x7216xf32, #tpu.memory_space<hbm>> -> memref<7216xf32, #tpu.memory_space<hbm>>
      %dma_start3A_30 = arith.constant 0 : i32
      %dma_start3A_31 = tpu.memref_slice %arg4[%add3A, %dma_start3A_30] : memref<32x7216xf32, #tpu.memory_space<hbm>> -> memref<1x7216xf32, #tpu.memory_space<hbm>>
      %dma_start3A_32 = tpu.memref_squeeze %dma_start3A_31 : memref<1x7216xf32, #tpu.memory_space<hbm>> -> memref<7216xf32, #tpu.memory_space<hbm>>
      tpu.enqueue_dma source(%arg7 : memref<7216xf32, #tpu.memory_space<vmem>>) target(%dma_start3A_32 : memref<7216xf32, #tpu.memory_space<hbm>>) target_semaphore(%run_scoped3A : memref<!tpu.dma_semaphore, #tpu.memory_space<semaphore_mem>>)
      %dma_wait3A_33 = arith.constant 0 : i32
      %dma_wait3A_34 = tpu.memref_slice %arg4[%add3A, %dma_wait3A_33] : memref<32x7216xf32, #tpu.memory_space<hbm>> -> memref<1x7216xf32, #tpu.memory_space<hbm>>
      %dma_wait3A_35 = tpu.memref_squeeze %dma_wait3A_34 : memref<1x7216xf32, #tpu.memory_space<hbm>> -> memref<7216xf32, #tpu.memory_space<hbm>>
      %dma_wait3A_36 = arith.constant 0 : i32
      %dma_wait3A_37 = tpu.memref_slice %arg4[%add3A, %dma_wait3A_36] : memref<32x7216xf32, #tpu.memory_space<hbm>> -> memref<1x7216xf32, #tpu.memory_space<hbm>>
      %dma_wait3A_38 = tpu.memref_squeeze %dma_wait3A_37 : memref<1x7216xf32, #tpu.memory_space<hbm>> -> memref<7216xf32, #tpu.memory_space<hbm>>
      tpu.wait_dma2 semaphore(%run_scoped3A : memref<!tpu.dma_semaphore, #tpu.memory_space<semaphore_mem>>) src(%arg7 : memref<7216xf32, #tpu.memory_space<vmem>>) dst(%dma_wait3A_38 : memref<7216xf32, #tpu.memory_space<hbm>>)
      tpu.yield
    }) : () -> ()
    return
  }
}

#map = affine_map<(d0, d1) -> (0)>
#map1 = affine_map<(d0, d1) -> (0, 0)>
module attributes {stable_mosaic.version = 14 : i64} {
  func.func @_k2_body(%arg0: i32, %arg1: i32, %arg2: memref<663552xi32, #tpu.memory_space<hbm>>, %arg3: memref<663552xf32, #tpu.memory_space<hbm>>, %arg4: memref<32x7216xf32, #tpu.memory_space<hbm>>, %arg5: memref<20736xi32, #tpu.memory_space<vmem>>, %arg6: memref<20736xf32, #tpu.memory_space<vmem>>, %arg7: memref<7216xf32, #tpu.memory_space<vmem>>, %arg8: memref<!tpu.dma_semaphore, #tpu.memory_space<semaphore_mem>>, %arg9: memref<!tpu.dma_semaphore, #tpu.memory_space<semaphore_mem>>) attributes {dimension_semantics = [#tpu.dimension_semantics<core_parallel>, #tpu.dimension_semantics<subcore_parallel>], iteration_bounds = array<i64: 2, 16>, scalar_prefetch = 0 : i64, scratch_operands = 5 : i64, tpu.core_type = #tpu.core_type<sc_vector_subcore>, window_params = [{transform_indices = #map}, {transform_indices = #map}, {transform_indices = #map1}]} {
    %mul3A = arith.constant 2 : i32
    %mul3A_0 = arith.muli %arg1, %mul3A : i32
    %add3A = arith.addi %mul3A_0, %arg0 : i32
    %shift_right_arithmetic3A = arith.constant 1 : i32
    %shift_right_arithmetic3A_1 = arith.shrsi %add3A, %shift_right_arithmetic3A : i32
    %mul3A_2 = arith.constant 41472 : i32
    %mul3A_3 = arith.muli %shift_right_arithmetic3A_1, %mul3A_2 : i32
    %and3A = arith.constant 1 : i32
    %and3A_4 = arith.andi %add3A, %and3A : i32
    %mul3A_5 = arith.constant 20736 : i32
    %mul3A_6 = arith.muli %and3A_4, %mul3A_5 : i32
    %add3A_7 = arith.addi %mul3A_3, %mul3A_6 : i32
    %dma_start3A = tpu.memref_slice %arg2[%add3A_7] : memref<663552xi32, #tpu.memory_space<hbm>> -> memref<20736xi32, #tpu.memory_space<hbm>>
    %dma_start3A_8 = tpu.memref_slice %arg2[%add3A_7] : memref<663552xi32, #tpu.memory_space<hbm>> -> memref<20736xi32, #tpu.memory_space<hbm>>
    tpu.enqueue_dma source(%dma_start3A_8 : memref<20736xi32, #tpu.memory_space<hbm>>) target(%arg5 : memref<20736xi32, #tpu.memory_space<vmem>>) target_semaphore(%arg8 : memref<!tpu.dma_semaphore, #tpu.memory_space<semaphore_mem>>)
    %dma_start3A_9 = tpu.memref_slice %arg3[%add3A_7] : memref<663552xf32, #tpu.memory_space<hbm>> -> memref<20736xf32, #tpu.memory_space<hbm>>
    %dma_start3A_10 = tpu.memref_slice %arg3[%add3A_7] : memref<663552xf32, #tpu.memory_space<hbm>> -> memref<20736xf32, #tpu.memory_space<hbm>>
    tpu.enqueue_dma source(%dma_start3A_10 : memref<20736xf32, #tpu.memory_space<hbm>>) target(%arg6 : memref<20736xf32, #tpu.memory_space<vmem>>) target_semaphore(%arg9 : memref<!tpu.dma_semaphore, #tpu.memory_space<semaphore_mem>>)
    %scan3A = arith.constant 0 : i32
    %scan3A_11 = arith.constant 0 : i32
    %scan3A_12 = arith.constant 451 : i32
    %scan3A_13 = arith.addi %scan3A_11, %scan3A_12 : i32
    %scan3A_14 = arith.constant 1 : i32
    %scan3A_15 = scf.for %scan3A_27 = %scan3A_11 to %scan3A_13 step %scan3A_14 iter_args(%scan3A_28 = %scan3A) -> (i32)  : i32 {
      %broadcast_in_dim3A = arith.constant 0.000000e+00 : f32
      %broadcast_in_dim3A_29 = vector.broadcast %broadcast_in_dim3A : f32 to vector<16xf32>
      %mul3A_30 = arith.constant 16 : i32
      %mul3A_31 = arith.muli %scan3A_27, %mul3A_30 : i32
      %swap3A = arith.index_cast %mul3A_31 : i32 to index
      %swap3A_32 = tpu.vector_load %arg7[%swap3A] {strides = array<i32>} : memref<7216xf32, #tpu.memory_space<vmem>>, vector<16xf32>,
      tpu.vector_store %arg7[%swap3A], %broadcast_in_dim3A_29 {strides = array<i32>} : memref<7216xf32, #tpu.memory_space<vmem>>, vector<16xf32>,
      %scan3A_33 = arith.constant 0 : i32
      scf.yield %scan3A_33 : i32
    }
    %scan3A_16 = arith.constant 451 : i32
    %dma_wait3A = tpu.memref_slice %arg2[%add3A_7] : memref<663552xi32, #tpu.memory_space<hbm>> -> memref<20736xi32, #tpu.memory_space<hbm>>
    %dma_wait3A_17 = tpu.memref_slice %arg2[%add3A_7] : memref<663552xi32, #tpu.memory_space<hbm>> -> memref<20736xi32, #tpu.memory_space<hbm>>
    tpu.wait_dma2 semaphore(%arg8 : memref<!tpu.dma_semaphore, #tpu.memory_space<semaphore_mem>>) src(%dma_wait3A_17 : memref<20736xi32, #tpu.memory_space<hbm>>) dst(%arg5 : memref<20736xi32, #tpu.memory_space<vmem>>)
    %dma_wait3A_18 = tpu.memref_slice %arg3[%add3A_7] : memref<663552xf32, #tpu.memory_space<hbm>> -> memref<20736xf32, #tpu.memory_space<hbm>>
    %dma_wait3A_19 = tpu.memref_slice %arg3[%add3A_7] : memref<663552xf32, #tpu.memory_space<hbm>> -> memref<20736xf32, #tpu.memory_space<hbm>>
    tpu.wait_dma2 semaphore(%arg9 : memref<!tpu.dma_semaphore, #tpu.memory_space<semaphore_mem>>) src(%dma_wait3A_19 : memref<20736xf32, #tpu.memory_space<hbm>>) dst(%arg6 : memref<20736xf32, #tpu.memory_space<vmem>>)
    %scan3A_20 = arith.constant 0 : i32
    %scan3A_21 = arith.constant 0 : i32
    %scan3A_22 = arith.constant 162 : i32
    %scan3A_23 = arith.addi %scan3A_21, %scan3A_22 : i32
    %scan3A_24 = arith.constant 1 : i32
    %scan3A_25 = scf.for %scan3A_27 = %scan3A_21 to %scan3A_23 step %scan3A_24 iter_args(%scan3A_28 = %scan3A_20) -> (i32)  : i32 {
      %mul3A_29 = arith.constant 128 : i32
      %mul3A_30 = arith.muli %scan3A_27, %mul3A_29 : i32
      %add3A_31 = arith.constant 0 : i32
      %add3A_32 = arith.addi %mul3A_30, %add3A_31 : i32
      %get3A = arith.index_cast %add3A_32 : i32 to index
      %get3A_33 = tpu.vector_load %arg5[%get3A] {strides = array<i32>} : memref<20736xi32, #tpu.memory_space<vmem>>, vector<16xi32>,
      %get3A_34 = arith.index_cast %add3A_32 : i32 to index
      %get3A_35 = tpu.vector_load %arg6[%get3A_34] {strides = array<i32>} : memref<20736xf32, #tpu.memory_space<vmem>>, vector<16xf32>,
      tpu.vector_store_idx %arg7[%get3A_33], %get3A_35 {add = true} : memref<7216xf32, #tpu.memory_space<vmem>>[vector<16xi32>], vector<16xf32>,
      %mul3A_36 = arith.constant 128 : i32
      %mul3A_37 = arith.muli %scan3A_27, %mul3A_36 : i32
      %add3A_38 = arith.constant 16 : i32
      %add3A_39 = arith.addi %mul3A_37, %add3A_38 : i32
      %get3A_40 = arith.index_cast %add3A_39 : i32 to index
      %get3A_41 = tpu.vector_load %arg5[%get3A_40] {strides = array<i32>} : memref<20736xi32, #tpu.memory_space<vmem>>, vector<16xi32>,
      %get3A_42 = arith.index_cast %add3A_39 : i32 to index
      %get3A_43 = tpu.vector_load %arg6[%get3A_42] {strides = array<i32>} : memref<20736xf32, #tpu.memory_space<vmem>>, vector<16xf32>,
      tpu.vector_store_idx %arg7[%get3A_41], %get3A_43 {add = true} : memref<7216xf32, #tpu.memory_space<vmem>>[vector<16xi32>], vector<16xf32>,
      %mul3A_44 = arith.constant 128 : i32
      %mul3A_45 = arith.muli %scan3A_27, %mul3A_44 : i32
      %add3A_46 = arith.constant 32 : i32
      %add3A_47 = arith.addi %mul3A_45, %add3A_46 : i32
      %get3A_48 = arith.index_cast %add3A_47 : i32 to index
      %get3A_49 = tpu.vector_load %arg5[%get3A_48] {strides = array<i32>} : memref<20736xi32, #tpu.memory_space<vmem>>, vector<16xi32>,
      %get3A_50 = arith.index_cast %add3A_47 : i32 to index
      %get3A_51 = tpu.vector_load %arg6[%get3A_50] {strides = array<i32>} : memref<20736xf32, #tpu.memory_space<vmem>>, vector<16xf32>,
      tpu.vector_store_idx %arg7[%get3A_49], %get3A_51 {add = true} : memref<7216xf32, #tpu.memory_space<vmem>>[vector<16xi32>], vector<16xf32>,
      %mul3A_52 = arith.constant 128 : i32
      %mul3A_53 = arith.muli %scan3A_27, %mul3A_52 : i32
      %add3A_54 = arith.constant 48 : i32
      %add3A_55 = arith.addi %mul3A_53, %add3A_54 : i32
      %get3A_56 = arith.index_cast %add3A_55 : i32 to index
      %get3A_57 = tpu.vector_load %arg5[%get3A_56] {strides = array<i32>} : memref<20736xi32, #tpu.memory_space<vmem>>, vector<16xi32>,
      %get3A_58 = arith.index_cast %add3A_55 : i32 to index
      %get3A_59 = tpu.vector_load %arg6[%get3A_58] {strides = array<i32>} : memref<20736xf32, #tpu.memory_space<vmem>>, vector<16xf32>,
      tpu.vector_store_idx %arg7[%get3A_57], %get3A_59 {add = true} : memref<7216xf32, #tpu.memory_space<vmem>>[vector<16xi32>], vector<16xf32>,
      %mul3A_60 = arith.constant 128 : i32
      %mul3A_61 = arith.muli %scan3A_27, %mul3A_60 : i32
      %add3A_62 = arith.constant 64 : i32
      %add3A_63 = arith.addi %mul3A_61, %add3A_62 : i32
      %get3A_64 = arith.index_cast %add3A_63 : i32 to index
      %get3A_65 = tpu.vector_load %arg5[%get3A_64] {strides = array<i32>} : memref<20736xi32, #tpu.memory_space<vmem>>, vector<16xi32>,
      %get3A_66 = arith.index_cast %add3A_63 : i32 to index
      %get3A_67 = tpu.vector_load %arg6[%get3A_66] {strides = array<i32>} : memref<20736xf32, #tpu.memory_space<vmem>>, vector<16xf32>,
      tpu.vector_store_idx %arg7[%get3A_65], %get3A_67 {add = true} : memref<7216xf32, #tpu.memory_space<vmem>>[vector<16xi32>], vector<16xf32>,
      %mul3A_68 = arith.constant 128 : i32
      %mul3A_69 = arith.muli %scan3A_27, %mul3A_68 : i32
      %add3A_70 = arith.constant 80 : i32
      %add3A_71 = arith.addi %mul3A_69, %add3A_70 : i32
      %get3A_72 = arith.index_cast %add3A_71 : i32 to index
      %get3A_73 = tpu.vector_load %arg5[%get3A_72] {strides = array<i32>} : memref<20736xi32, #tpu.memory_space<vmem>>, vector<16xi32>,
      %get3A_74 = arith.index_cast %add3A_71 : i32 to index
      %get3A_75 = tpu.vector_load %arg6[%get3A_74] {strides = array<i32>} : memref<20736xf32, #tpu.memory_space<vmem>>, vector<16xf32>,
      tpu.vector_store_idx %arg7[%get3A_73], %get3A_75 {add = true} : memref<7216xf32, #tpu.memory_space<vmem>>[vector<16xi32>], vector<16xf32>,
      %mul3A_76 = arith.constant 128 : i32
      %mul3A_77 = arith.muli %scan3A_27, %mul3A_76 : i32
      %add3A_78 = arith.constant 96 : i32
      %add3A_79 = arith.addi %mul3A_77, %add3A_78 : i32
      %get3A_80 = arith.index_cast %add3A_79 : i32 to index
      %get3A_81 = tpu.vector_load %arg5[%get3A_80] {strides = array<i32>} : memref<20736xi32, #tpu.memory_space<vmem>>, vector<16xi32>,
      %get3A_82 = arith.index_cast %add3A_79 : i32 to index
      %get3A_83 = tpu.vector_load %arg6[%get3A_82] {strides = array<i32>} : memref<20736xf32, #tpu.memory_space<vmem>>, vector<16xf32>,
      tpu.vector_store_idx %arg7[%get3A_81], %get3A_83 {add = true} : memref<7216xf32, #tpu.memory_space<vmem>>[vector<16xi32>], vector<16xf32>,
      %mul3A_84 = arith.constant 128 : i32
      %mul3A_85 = arith.muli %scan3A_27, %mul3A_84 : i32
      %add3A_86 = arith.constant 112 : i32
      %add3A_87 = arith.addi %mul3A_85, %add3A_86 : i32
      %get3A_88 = arith.index_cast %add3A_87 : i32 to index
      %get3A_89 = tpu.vector_load %arg5[%get3A_88] {strides = array<i32>} : memref<20736xi32, #tpu.memory_space<vmem>>, vector<16xi32>,
      %get3A_90 = arith.index_cast %add3A_87 : i32 to index
      %get3A_91 = tpu.vector_load %arg6[%get3A_90] {strides = array<i32>} : memref<20736xf32, #tpu.memory_space<vmem>>, vector<16xf32>,
      tpu.vector_store_idx %arg7[%get3A_89], %get3A_91 {add = true} : memref<7216xf32, #tpu.memory_space<vmem>>[vector<16xi32>], vector<16xf32>,
      %scan3A_92 = arith.constant 0 : i32
      scf.yield %scan3A_92 : i32
    }
    %scan3A_26 = arith.constant 162 : i32
    "tpu.region"() ({
      %run_scoped3A = tpu.sem_alloc : memref<!tpu.dma_semaphore, #tpu.memory_space<semaphore_mem>>
      %dma_start3A_27 = arith.constant 0 : i32
      %dma_start3A_28 = tpu.memref_slice %arg4[%add3A, %dma_start3A_27] : memref<32x7216xf32, #tpu.memory_space<hbm>> -> memref<1x7216xf32, #tpu.memory_space<hbm>>
      %dma_start3A_29 = tpu.memref_squeeze %dma_start3A_28 : memref<1x7216xf32, #tpu.memory_space<hbm>> -> memref<7216xf32, #tpu.memory_space<hbm>>
      %dma_start3A_30 = arith.constant 0 : i32
      %dma_start3A_31 = tpu.memref_slice %arg4[%add3A, %dma_start3A_30] : memref<32x7216xf32, #tpu.memory_space<hbm>> -> memref<1x7216xf32, #tpu.memory_space<hbm>>
      %dma_start3A_32 = tpu.memref_squeeze %dma_start3A_31 : memref<1x7216xf32, #tpu.memory_space<hbm>> -> memref<7216xf32, #tpu.memory_space<hbm>>
      tpu.enqueue_dma source(%arg7 : memref<7216xf32, #tpu.memory_space<vmem>>) target(%dma_start3A_32 : memref<7216xf32, #tpu.memory_space<hbm>>) target_semaphore(%run_scoped3A : memref<!tpu.dma_semaphore, #tpu.memory_space<semaphore_mem>>)
      %dma_wait3A_33 = arith.constant 0 : i32
      %dma_wait3A_34 = tpu.memref_slice %arg4[%add3A, %dma_wait3A_33] : memref<32x7216xf32, #tpu.memory_space<hbm>> -> memref<1x7216xf32, #tpu.memory_space<hbm>>
      %dma_wait3A_35 = tpu.memref_squeeze %dma_wait3A_34 : memref<1x7216xf32, #tpu.memory_space<hbm>> -> memref<7216xf32, #tpu.memory_space<hbm>>
      %dma_wait3A_36 = arith.constant 0 : i32
      %dma_wait3A_37 = tpu.memref_slice %arg4[%add3A, %dma_wait3A_36] : memref<32x7216xf32, #tpu.memory_space<hbm>> -> memref<1x7216xf32, #tpu.memory_space<hbm>>
      %dma_wait3A_38 = tpu.memref_squeeze %dma_wait3A_37 : memref<1x7216xf32, #tpu.memory_space<hbm>> -> memref<7216xf32, #tpu.memory_space<hbm>>
      tpu.wait_dma2 semaphore(%run_scoped3A : memref<!tpu.dma_semaphore, #tpu.memory_space<semaphore_mem>>) src(%arg7 : memref<7216xf32, #tpu.memory_space<vmem>>) dst(%dma_wait3A_38 : memref<7216xf32, #tpu.memory_space<hbm>>)
      tpu.yield
    }) : () -> ()
    return
  }
}

module attributes {stable_mosaic.version = 14 : i64} {
  func.func @_k1_body(%arg0: i32, %arg1: memref<2600x256xf32, #tpu.memory_space<any>>, %arg2: memref<144x128xi32, #tpu.memory_space<vmem>>, %arg3: memref<1024x2048xbf16, #tpu.memory_space<vmem>>, %arg4: memref<1024x2048xbf16, #tpu.memory_space<vmem>>, %arg5: memref<144x512xi32, #tpu.memory_space<vmem>>, %arg6: memref<144x512xf32, #tpu.memory_space<vmem>>, %arg7: memref<2x152x256xf32, #tpu.memory_space<vmem>>, %arg8: memref<2x!tpu.dma_semaphore, #tpu.memory_space<semaphore_mem>>) attributes {dimension_semantics = [#tpu.dimension_semantics<arbitrary>], iteration_bounds = array<i64: 9>, scalar_prefetch = 0 : i64, scratch_operands = 2 : i64, tpu.core_type = #tpu.core_type<tc>, window_params = [{}, {transform_indices = @transform_1, window_bounds = array<i64: 144, 128>}, {pipeline_mode = #tpu.pipeline_mode<synchronous>, transform_indices = @transform_2, window_bounds = array<i64: 1024, 2048>}, {pipeline_mode = #tpu.pipeline_mode<synchronous>, transform_indices = @transform_3, window_bounds = array<i64: 1024, 2048>}, {transform_indices = @transform_4, window_bounds = array<i64: 144, 512>}, {transform_indices = @transform_5, window_bounds = array<i64: 144, 512>}]} {
    %rem3A = arith.constant 2 : i32
    %rem3A_0 = arith.remsi %arg0, %rem3A : i32
    %add3A = arith.constant 1 : i32
    %add3A_1 = arith.addi %arg0, %add3A : i32
    %rem3A_2 = arith.constant 2 : i32
    %rem3A_3 = arith.remsi %add3A_1, %rem3A_2 : i32
    %eq3A = arith.constant 0 : i32
    %eq3A_4 = arith.cmpi eq, %arg0, %eq3A : i32
    %convert_element_type3A = arith.extui %eq3A_4 : i1 to i32
    %cond3A = arith.constant 0 : i32
    %cond3A_5 = arith.cmpi ne, %convert_element_type3A, %cond3A : i32
    scf.if %cond3A_5 {
      %dma_start3A = arith.constant 0 : i32
      %dma_start3A_227 = arith.constant 0 : i32
      %dma_start3A_228 = tpu.memref_slice %arg8[%dma_start3A_227] : memref<2x!tpu.dma_semaphore, #tpu.memory_space<semaphore_mem>> -> memref<1x!tpu.dma_semaphore, #tpu.memory_space<semaphore_mem>>
      %dma_start3A_229 = tpu.memref_squeeze %dma_start3A_228 : memref<1x!tpu.dma_semaphore, #tpu.memory_space<semaphore_mem>> -> memref<!tpu.dma_semaphore, #tpu.memory_space<semaphore_mem>>
      %dma_start3A_230 = arith.constant 0 : i32
      %dma_start3A_231 = arith.constant 0 : i32
      %dma_start3A_232 = tpu.memref_slice %arg7[%dma_start3A, %dma_start3A_230, %dma_start3A_231] : memref<2x152x256xf32, #tpu.memory_space<vmem>> -> memref<1x152x256xf32, #tpu.memory_space<vmem>>
      %dma_start3A_233 = tpu.memref_squeeze %dma_start3A_232 : memref<1x152x256xf32, #tpu.memory_space<vmem>> -> memref<152x256xf32, #tpu.memory_space<vmem>>
      %dma_start3A_234 = arith.constant 1296 : i32
      %dma_start3A_235 = arith.constant 0 : i32
      %dma_start3A_236 = tpu.memref_slice %arg1[%dma_start3A_234, %dma_start3A_235] : memref<2600x256xf32, #tpu.memory_space<any>> -> memref<152x256xf32, #tpu.memory_space<any>>
      tpu.enqueue_dma source(%dma_start3A_236 : memref<152x256xf32, #tpu.memory_space<any>>) target(%dma_start3A_233 : memref<152x256xf32, #tpu.memory_space<vmem>>) target_semaphore(%dma_start3A_229 : memref<!tpu.dma_semaphore, #tpu.memory_space<semaphore_mem>>)
    } else {
    }
    %add3A_6 = arith.constant 1 : i32
    %add3A_7 = arith.addi %arg0, %add3A_6 : i32
    %lt3A = arith.constant 9 : i32
    %lt3A_8 = arith.cmpi slt, %add3A_7, %lt3A : i32
    %convert_element_type3A_9 = arith.extui %lt3A_8 : i1 to i32
    %cond3A_10 = arith.constant 0 : i32
    %cond3A_11 = arith.cmpi ne, %convert_element_type3A_9, %cond3A_10 : i32
    scf.if %cond3A_11 {
      %add3A_227 = arith.constant 1 : i32
      %add3A_228 = arith.addi %arg0, %add3A_227 : i32
      %mul3A_229 = arith.constant 144 : i32
      %mul3A_230 = arith.muli %add3A_228, %mul3A_229 : i32
      %add3A_231 = arith.constant 1296 : i32
      %add3A_232 = arith.addi %add3A_231, %mul3A_230 : i32
      %dma_start3A = tpu.memref_slice %arg8[%rem3A_3] : memref<2x!tpu.dma_semaphore, #tpu.memory_space<semaphore_mem>> -> memref<1x!tpu.dma_semaphore, #tpu.memory_space<semaphore_mem>>
      %dma_start3A_233 = tpu.memref_squeeze %dma_start3A : memref<1x!tpu.dma_semaphore, #tpu.memory_space<semaphore_mem>> -> memref<!tpu.dma_semaphore, #tpu.memory_space<semaphore_mem>>
      %dma_start3A_234 = arith.constant 0 : i32
      %dma_start3A_235 = arith.constant 0 : i32
      %dma_start3A_236 = tpu.memref_slice %arg7[%rem3A_3, %dma_start3A_234, %dma_start3A_235] : memref<2x152x256xf32, #tpu.memory_space<vmem>> -> memref<1x152x256xf32, #tpu.memory_space<vmem>>
      %dma_start3A_237 = tpu.memref_squeeze %dma_start3A_236 : memref<1x152x256xf32, #tpu.memory_space<vmem>> -> memref<152x256xf32, #tpu.memory_space<vmem>>
      %dma_start3A_238 = arith.constant 0 : i32
      %dma_start3A_239 = tpu.memref_slice %arg1[%add3A_232, %dma_start3A_238] : memref<2600x256xf32, #tpu.memory_space<any>> -> memref<152x256xf32, #tpu.memory_space<any>>
      tpu.enqueue_dma source(%dma_start3A_239 : memref<152x256xf32, #tpu.memory_space<any>>) target(%dma_start3A_237 : memref<152x256xf32, #tpu.memory_space<vmem>>) target_semaphore(%dma_start3A_233 : memref<!tpu.dma_semaphore, #tpu.memory_space<semaphore_mem>>)
    } else {
    }
    %mul3A = arith.constant 144 : i32
    %mul3A_12 = arith.muli %arg0, %mul3A : i32
    %add3A_13 = arith.constant 1296 : i32
    %add3A_14 = arith.addi %add3A_13, %mul3A_12 : i32
    %dma_wait3A = tpu.memref_slice %arg8[%rem3A_0] : memref<2x!tpu.dma_semaphore, #tpu.memory_space<semaphore_mem>> -> memref<1x!tpu.dma_semaphore, #tpu.memory_space<semaphore_mem>>
    %dma_wait3A_15 = tpu.memref_squeeze %dma_wait3A : memref<1x!tpu.dma_semaphore, #tpu.memory_space<semaphore_mem>> -> memref<!tpu.dma_semaphore, #tpu.memory_space<semaphore_mem>>
    %dma_wait3A_16 = arith.constant 0 : i32
    %dma_wait3A_17 = arith.constant 0 : i32
    %dma_wait3A_18 = tpu.memref_slice %arg7[%rem3A_0, %dma_wait3A_16, %dma_wait3A_17] : memref<2x152x256xf32, #tpu.memory_space<vmem>> -> memref<1x152x256xf32, #tpu.memory_space<vmem>>
    %dma_wait3A_19 = tpu.memref_squeeze %dma_wait3A_18 : memref<1x152x256xf32, #tpu.memory_space<vmem>> -> memref<152x256xf32, #tpu.memory_space<vmem>>
    %dma_wait3A_20 = arith.constant 0 : i32
    %dma_wait3A_21 = tpu.memref_slice %arg1[%add3A_14, %dma_wait3A_20] : memref<2600x256xf32, #tpu.memory_space<any>> -> memref<152x256xf32, #tpu.memory_space<any>>
    tpu.wait_dma2 semaphore(%dma_wait3A_15 : memref<!tpu.dma_semaphore, #tpu.memory_space<semaphore_mem>>) src(%dma_wait3A_21 : memref<152x256xf32, #tpu.memory_space<any>>) dst(%dma_wait3A_19 : memref<152x256xf32, #tpu.memory_space<vmem>>)
    %get3A = arith.constant 0 : i32
    %get3A_22 = arith.constant 0 : i32
    %get3A_23 = tpu.memref_slice %arg7[%rem3A_0, %get3A, %get3A_22] : memref<2x152x256xf32, #tpu.memory_space<vmem>> -> memref<1x152x256xf32, #tpu.memory_space<vmem>>
    %get3A_24 = tpu.memref_squeeze %get3A_23 : memref<1x152x256xf32, #tpu.memory_space<vmem>> -> memref<152x256xf32, #tpu.memory_space<vmem>>
    %get3A_25 = arith.constant 0 : index
    %get3A_26 = arith.constant 0 : index
    %get3A_27 = vector.load %get3A_24[%get3A_25, %get3A_26] : memref<152x256xf32, #tpu.memory_space<vmem>>, vector<144x256xf32>
    %get3A_28 = arith.constant 0 : i32
    %get3A_29 = arith.constant 0 : i32
    %get3A_30 = tpu.memref_slice %arg7[%rem3A_0, %get3A_28, %get3A_29] : memref<2x152x256xf32, #tpu.memory_space<vmem>> -> memref<1x152x256xf32, #tpu.memory_space<vmem>>
    %get3A_31 = tpu.memref_squeeze %get3A_30 : memref<1x152x256xf32, #tpu.memory_space<vmem>> -> memref<152x256xf32, #tpu.memory_space<vmem>>
    %get3A_32 = arith.constant 1 : index
    %get3A_33 = arith.constant 0 : index
    %get3A_34 = vector.load %get3A_31[%get3A_32, %get3A_33] : memref<152x256xf32, #tpu.memory_space<vmem>>, vector<144x256xf32>
    %get3A_35 = arith.constant 0 : i32
    %get3A_36 = arith.constant 0 : i32
    %get3A_37 = tpu.memref_slice %arg7[%rem3A_0, %get3A_35, %get3A_36] : memref<2x152x256xf32, #tpu.memory_space<vmem>> -> memref<1x152x256xf32, #tpu.memory_space<vmem>>
    %get3A_38 = tpu.memref_squeeze %get3A_37 : memref<1x152x256xf32, #tpu.memory_space<vmem>> -> memref<152x256xf32, #tpu.memory_space<vmem>>
    %get3A_39 = arith.constant 2 : index
    %get3A_40 = arith.constant 0 : index
    %get3A_41 = vector.load %get3A_38[%get3A_39, %get3A_40] : memref<152x256xf32, #tpu.memory_space<vmem>>, vector<144x256xf32>
    %get3A_42 = arith.constant 0 : i32
    %get3A_43 = arith.constant 0 : i32
    %get3A_44 = tpu.memref_slice %arg7[%rem3A_0, %get3A_42, %get3A_43] : memref<2x152x256xf32, #tpu.memory_space<vmem>> -> memref<1x152x256xf32, #tpu.memory_space<vmem>>
    %get3A_45 = tpu.memref_squeeze %get3A_44 : memref<1x152x256xf32, #tpu.memory_space<vmem>> -> memref<152x256xf32, #tpu.memory_space<vmem>>
    %get3A_46 = arith.constant 3 : index
    %get3A_47 = arith.constant 0 : index
    %get3A_48 = vector.load %get3A_45[%get3A_46, %get3A_47] : memref<152x256xf32, #tpu.memory_space<vmem>>, vector<144x256xf32>
    %concatenate3A = tpu.concatenate %get3A_27, %get3A_34, %get3A_41, %get3A_48 in 1 : vector<144x256xf32>, vector<144x256xf32>, vector<144x256xf32>, vector<144x256xf32> -> vector<144x1024xf32>
    %jit3A = arith.constant -1.000000e+00 : f32
    %jit3A_49 = arith.constant 1.000000e+00 : f32
    %max3A = vector.broadcast %jit3A : f32 to vector<144x1024xf32>
    %max3A_50 = arith.maximumf %max3A, %concatenate3A : vector<144x1024xf32>
    %min3A = vector.broadcast %jit3A_49 : f32 to vector<144x1024xf32>
    %min3A_51 = arith.minimumf %min3A, %max3A_50 : vector<144x1024xf32>
    %convert_element_type3A_52 = arith.truncf %min3A_51 : vector<144x1024xf32> to vector<144x1024xbf16>
    %convert_element_type3A_53 = arith.extf %convert_element_type3A_52 : vector<144x1024xbf16> to vector<144x1024xf32>
    %sub3A = arith.subf %min3A_51, %convert_element_type3A_53 : vector<144x1024xf32>
    %convert_element_type3A_54 = arith.truncf %sub3A : vector<144x1024xf32> to vector<144x1024xbf16>
    %get3A_55 = arith.constant 0 : index
    %get3A_56 = arith.constant 0 : index
    %get3A_57 = vector.load %arg3[%get3A_55, %get3A_56] : memref<1024x2048xbf16, #tpu.memory_space<vmem>>, vector<1024x2048xbf16>
    %dot_general3A = arith.constant dense<0.000000e+00> : vector<144x2048xf32>
    %dot_general3A_58 = tpu.matmul %convert_element_type3A_52, %get3A_57, %dot_general3A {dimension_numbers = #tpu.dot_dimension_numbers<[1], [0], [0], [1], [0, 0, 1, 1], [], []>, transpose_lhs_hint = false} : vector<144x1024xbf16>, vector<1024x2048xbf16>, vector<144x2048xf32> -> vector<144x2048xf32>
    %get3A_59 = arith.constant 0 : index
    %get3A_60 = arith.constant 0 : index
    %get3A_61 = vector.load %arg4[%get3A_59, %get3A_60] : memref<1024x2048xbf16, #tpu.memory_space<vmem>>, vector<1024x2048xbf16>
    %dot_general3A_62 = arith.constant dense<0.000000e+00> : vector<144x2048xf32>
    %dot_general3A_63 = tpu.matmul %convert_element_type3A_52, %get3A_61, %dot_general3A_62 {dimension_numbers = #tpu.dot_dimension_numbers<[1], [0], [0], [1], [0, 0, 1, 1], [], []>, transpose_lhs_hint = false} : vector<144x1024xbf16>, vector<1024x2048xbf16>, vector<144x2048xf32> -> vector<144x2048xf32>
    %add3A_64 = arith.addf %dot_general3A_58, %dot_general3A_63 : vector<144x2048xf32>
    %get3A_65 = arith.constant 0 : index
    %get3A_66 = arith.constant 0 : index
    %get3A_67 = vector.load %arg3[%get3A_65, %get3A_66] : memref<1024x2048xbf16, #tpu.memory_space<vmem>>, vector<1024x2048xbf16>
    %dot_general3A_68 = arith.constant dense<0.000000e+00> : vector<144x2048xf32>
    %dot_general3A_69 = tpu.matmul %convert_element_type3A_54, %get3A_67, %dot_general3A_68 {dimension_numbers = #tpu.dot_dimension_numbers<[1], [0], [0], [1], [0, 0, 1, 1], [], []>, transpose_lhs_hint = false} : vector<144x1024xbf16>, vector<1024x2048xbf16>, vector<144x2048xf32> -> vector<144x2048xf32>
    %add3A_70 = arith.addf %add3A_64, %dot_general3A_69 : vector<144x2048xf32>
    %slice3A = vector.extract_strided_slice %add3A_70 {offsets = [0, 0], sizes = [144, 512], strides = [1, 1]} : vector<144x2048xf32> to vector<144x512xf32>
    %slice3A_71 = vector.extract_strided_slice %add3A_70 {offsets = [0, 512], sizes = [144, 512], strides = [1, 1]} : vector<144x2048xf32> to vector<144x512xf32>
    %slice3A_72 = vector.extract_strided_slice %add3A_70 {offsets = [0, 1024], sizes = [144, 512], strides = [1, 1]} : vector<144x2048xf32> to vector<144x512xf32>
    %slice3A_73 = vector.extract_strided_slice %add3A_70 {offsets = [0, 1536], sizes = [144, 512], strides = [1, 1]} : vector<144x2048xf32> to vector<144x512xf32>
    %mul3A_74 = arith.mulf %slice3A, %slice3A : vector<144x512xf32>
    %mul3A_75 = arith.mulf %slice3A_71, %slice3A_71 : vector<144x512xf32>
    %add3A_76 = arith.addf %mul3A_74, %mul3A_75 : vector<144x512xf32>
    %sqrt3A = math.sqrt %add3A_76 : vector<144x512xf32>
    %mul3A_77 = arith.mulf %slice3A_73, %slice3A : vector<144x512xf32>
    %mul3A_78 = arith.mulf %slice3A_72, %slice3A_71 : vector<144x512xf32>
    %sub3A_79 = arith.subf %mul3A_77, %mul3A_78 : vector<144x512xf32>
    %neg3A = arith.constant 0.000000e+00 : f32
    %neg3A_80 = vector.broadcast %neg3A : f32 to vector<144x512xf32>
    %neg3A_81 = arith.subf %neg3A_80, %sub3A_79 : vector<144x512xf32>
    %max3A_82 = arith.constant 1.000000e-30 : f32
    %max3A_83 = vector.broadcast %max3A_82 : f32 to vector<144x512xf32>
    %max3A_84 = arith.maximumf %add3A_76, %max3A_83 : vector<144x512xf32>
    %div3A = arith.divf %neg3A_81, %max3A_84 : vector<144x512xf32>
    %mul3A_85 = arith.constant 3509.36646 : f32
    %mul3A_86 = vector.broadcast %mul3A_85 : f32 to vector<144x512xf32>
    %mul3A_87 = arith.mulf %div3A, %mul3A_86 : vector<144x512xf32>
    %iota3A = tpu.iota {dimensions = array<i32: 1>} : vector<144x512xi32>
    %convert_element_type3A_88 = arith.sitofp %iota3A : vector<144x512xi32> to vector<144x512xf32>
    %mul3A_89 = arith.constant 21.5332031 : f32
    %mul3A_90 = vector.broadcast %mul3A_89 : f32 to vector<144x512xf32>
    %mul3A_91 = arith.mulf %convert_element_type3A_88, %mul3A_90 : vector<144x512xf32>
    %gt3A = arith.constant 0.000000e+00 : f32
    %gt3A_92 = vector.broadcast %gt3A : f32 to vector<144x512xf32>
    %gt3A_93 = arith.cmpf ogt, %add3A_76, %gt3A_92 : vector<144x512xf32>
    %add3A_94 = arith.addf %mul3A_91, %mul3A_87 : vector<144x512xf32>
    %select_n3A = arith.select %gt3A_93, %add3A_94, %mul3A_91 : vector<144x512xi1>, vector<144x512xf32>
    %max3A_95 = arith.constant 0.000000e+00 : f32
    %max3A_96 = vector.broadcast %max3A_95 : f32 to vector<144x512xf32>
    %max3A_97 = arith.maximumf %select_n3A, %max3A_96 : vector<144x512xf32>
    %bitcast_convert_type3A = tpu.bitcast %max3A_97 : vector<144x512xf32> -> vector<144x512xi32>
    %and3A = arith.constant 8388607 : i32
    %and3A_98 = vector.broadcast %and3A : i32 to vector<144x512xi32>
    %and3A_99 = arith.andi %bitcast_convert_type3A, %and3A_98 : vector<144x512xi32>
    %shift_right_arithmetic3A = arith.constant 23 : i32
    %shift_right_arithmetic3A_100 = vector.broadcast %shift_right_arithmetic3A : i32 to vector<144x512xi32>
    %shift_right_arithmetic3A_101 = arith.shrsi %bitcast_convert_type3A, %shift_right_arithmetic3A_100 : vector<144x512xi32>
    %mul3A_102 = arith.constant 12 : i32
    %mul3A_103 = vector.broadcast %mul3A_102 : i32 to vector<144x512xi32>
    %mul3A_104 = arith.muli %shift_right_arithmetic3A_101, %mul3A_103 : vector<144x512xi32>
    %sub3A_105 = arith.constant 1580 : i32
    %sub3A_106 = vector.broadcast %sub3A_105 : i32 to vector<144x512xi32>
    %sub3A_107 = arith.subi %mul3A_104, %sub3A_106 : vector<144x512xi32>
    %ge3A = arith.constant 439225 : i32
    %ge3A_108 = vector.broadcast %ge3A : i32 to vector<144x512xi32>
    %ge3A_109 = arith.cmpi sge, %and3A_99, %ge3A_108 : vector<144x512xi32>
    %convert_element_type3A_110 = arith.extui %ge3A_109 : vector<144x512xi1> to vector<144x512xi32>
    %add3A_111 = arith.addi %sub3A_107, %convert_element_type3A_110 : vector<144x512xi32>
    %ge3A_112 = arith.constant 964156 : i32
    %ge3A_113 = vector.broadcast %ge3A_112 : i32 to vector<144x512xi32>
    %ge3A_114 = arith.cmpi sge, %and3A_99, %ge3A_113 : vector<144x512xi32>
    %convert_element_type3A_115 = arith.extui %ge3A_114 : vector<144x512xi1> to vector<144x512xi32>
    %add3A_116 = arith.addi %add3A_111, %convert_element_type3A_115 : vector<144x512xi32>
    %ge3A_117 = arith.constant 1520300 : i32
    %ge3A_118 = vector.broadcast %ge3A_117 : i32 to vector<144x512xi32>
    %ge3A_119 = arith.cmpi sge, %and3A_99, %ge3A_118 : vector<144x512xi32>
    %convert_element_type3A_120 = arith.extui %ge3A_119 : vector<144x512xi1> to vector<144x512xi32>
    %add3A_121 = arith.addi %add3A_116, %convert_element_type3A_120 : vector<144x512xi32>
    %ge3A_122 = arith.constant 2109514 : i32
    %ge3A_123 = vector.broadcast %ge3A_122 : i32 to vector<144x512xi32>
    %ge3A_124 = arith.cmpi sge, %and3A_99, %ge3A_123 : vector<144x512xi32>
    %convert_element_type3A_125 = arith.extui %ge3A_124 : vector<144x512xi1> to vector<144x512xi32>
    %add3A_126 = arith.addi %add3A_121, %convert_element_type3A_125 : vector<144x512xi32>
    %ge3A_127 = arith.constant 2733765 : i32
    %ge3A_128 = vector.broadcast %ge3A_127 : i32 to vector<144x512xi32>
    %ge3A_129 = arith.cmpi sge, %and3A_99, %ge3A_128 : vector<144x512xi32>
    %convert_element_type3A_130 = arith.extui %ge3A_129 : vector<144x512xi1> to vector<144x512xi32>
    %add3A_131 = arith.addi %add3A_126, %convert_element_type3A_130 : vector<144x512xi32>
    %ge3A_132 = arith.constant 3395136 : i32
    %ge3A_133 = vector.broadcast %ge3A_132 : i32 to vector<144x512xi32>
    %ge3A_134 = arith.cmpi sge, %and3A_99, %ge3A_133 : vector<144x512xi32>
    %convert_element_type3A_135 = arith.extui %ge3A_134 : vector<144x512xi1> to vector<144x512xi32>
    %add3A_136 = arith.addi %add3A_131, %convert_element_type3A_135 : vector<144x512xi32>
    %ge3A_137 = arith.constant 4095834 : i32
    %ge3A_138 = vector.broadcast %ge3A_137 : i32 to vector<144x512xi32>
    %ge3A_139 = arith.cmpi sge, %and3A_99, %ge3A_138 : vector<144x512xi32>
    %convert_element_type3A_140 = arith.extui %ge3A_139 : vector<144x512xi1> to vector<144x512xi32>
    %add3A_141 = arith.addi %add3A_136, %convert_element_type3A_140 : vector<144x512xi32>
    %ge3A_142 = arith.constant 4838197 : i32
    %ge3A_143 = vector.broadcast %ge3A_142 : i32 to vector<144x512xi32>
    %ge3A_144 = arith.cmpi sge, %and3A_99, %ge3A_143 : vector<144x512xi32>
    %convert_element_type3A_145 = arith.extui %ge3A_144 : vector<144x512xi1> to vector<144x512xi32>
    %add3A_146 = arith.addi %add3A_141, %convert_element_type3A_145 : vector<144x512xi32>
    %ge3A_147 = arith.constant 5624704 : i32
    %ge3A_148 = vector.broadcast %ge3A_147 : i32 to vector<144x512xi32>
    %ge3A_149 = arith.cmpi sge, %and3A_99, %ge3A_148 : vector<144x512xi32>
    %convert_element_type3A_150 = arith.extui %ge3A_149 : vector<144x512xi1> to vector<144x512xi32>
    %add3A_151 = arith.addi %add3A_146, %convert_element_type3A_150 : vector<144x512xi32>
    %ge3A_152 = arith.constant 6457979 : i32
    %ge3A_153 = vector.broadcast %ge3A_152 : i32 to vector<144x512xi32>
    %ge3A_154 = arith.cmpi sge, %and3A_99, %ge3A_153 : vector<144x512xi32>
    %convert_element_type3A_155 = arith.extui %ge3A_154 : vector<144x512xi1> to vector<144x512xi32>
    %add3A_156 = arith.addi %add3A_151, %convert_element_type3A_155 : vector<144x512xi32>
    %ge3A_157 = arith.constant 7340803 : i32
    %ge3A_158 = vector.broadcast %ge3A_157 : i32 to vector<144x512xi32>
    %ge3A_159 = arith.cmpi sge, %and3A_99, %ge3A_158 : vector<144x512xi32>
    %convert_element_type3A_160 = arith.extui %ge3A_159 : vector<144x512xi1> to vector<144x512xi32>
    %add3A_161 = arith.addi %add3A_156, %convert_element_type3A_160 : vector<144x512xi32>
    %ge3A_162 = arith.constant 8276122 : i32
    %ge3A_163 = vector.broadcast %ge3A_162 : i32 to vector<144x512xi32>
    %ge3A_164 = arith.cmpi sge, %and3A_99, %ge3A_163 : vector<144x512xi32>
    %convert_element_type3A_165 = arith.extui %ge3A_164 : vector<144x512xi1> to vector<144x512xi32>
    %add3A_166 = arith.addi %add3A_161, %convert_element_type3A_165 : vector<144x512xi32>
    %eq3A_167 = arith.constant 1107183770 : i32
    %eq3A_168 = vector.broadcast %eq3A_167 : i32 to vector<144x512xi32>
    %eq3A_169 = arith.cmpi eq, %bitcast_convert_type3A, %eq3A_168 : vector<144x512xi32>
    %convert_element_type3A_170 = arith.extui %eq3A_169 : vector<144x512xi1> to vector<144x512xi32>
    %sub3A_171 = arith.subi %add3A_166, %convert_element_type3A_170 : vector<144x512xi32>
    %eq3A_172 = arith.constant 1161723737 : i32
    %eq3A_173 = vector.broadcast %eq3A_172 : i32 to vector<144x512xi32>
    %eq3A_174 = arith.cmpi eq, %bitcast_convert_type3A, %eq3A_173 : vector<144x512xi32>
    %convert_element_type3A_175 = arith.extui %eq3A_174 : vector<144x512xi1> to vector<144x512xi32>
    %add3A_176 = arith.addi %sub3A_171, %convert_element_type3A_175 : vector<144x512xi32>
    %ge3A_177 = arith.constant 1 : i32
    %ge3A_178 = vector.broadcast %ge3A_177 : i32 to vector<144x512xi32>
    %ge3A_179 = arith.cmpi sge, %add3A_176, %ge3A_178 : vector<144x512xi32>
    %le3A = arith.constant 88 : i32
    %le3A_180 = vector.broadcast %le3A : i32 to vector<144x512xi32>
    %le3A_181 = arith.cmpi sle, %add3A_176, %le3A_180 : vector<144x512xi32>
    %eq3A_182 = arith.constant 4310.46533 : f32
    %eq3A_183 = vector.broadcast %eq3A_182 : f32 to vector<144x512xf32>
    %eq3A_184 = arith.cmpf oeq, %select_n3A, %eq3A_183 : vector<144x512xf32>
    %or3A = arith.ori %le3A_181, %eq3A_184 : vector<144x512xi1>
    %and3A_185 = arith.andi %ge3A_179, %or3A : vector<144x512xi1>
    %iota3A_186 = tpu.iota {dimensions = array<i32: 0>} : vector<144x512xi32>
    %mul3A_187 = arith.constant 144 : i32
    %mul3A_188 = arith.muli %arg0, %mul3A_187 : i32
    %add3A_189 = vector.broadcast %mul3A_188 : i32 to vector<144x512xi32>
    %add3A_190 = arith.addi %iota3A_186, %add3A_189 : vector<144x512xi32>
    %add3A_191 = arith.constant 1296 : i32
    %add3A_192 = vector.broadcast %add3A_191 : i32 to vector<144x512xi32>
    %add3A_193 = arith.addi %add3A_190, %add3A_192 : vector<144x512xi32>
    %lt3A_194 = arith.constant 2584 : i32
    %lt3A_195 = vector.broadcast %lt3A_194 : i32 to vector<144x512xi32>
    %lt3A_196 = arith.cmpi slt, %add3A_193, %lt3A_195 : vector<144x512xi32>
    %and3A_197 = arith.andi %and3A_185, %lt3A_196 : vector<144x512xi1>
    %sub3A_198 = arith.constant 1 : i32
    %sub3A_199 = vector.broadcast %sub3A_198 : i32 to vector<144x512xi32>
    %sub3A_200 = arith.subi %add3A_176, %sub3A_199 : vector<144x512xi32>
    %jit3A_201 = arith.constant 0 : i32
    %jit3A_202 = arith.constant 87 : i32
    %max3A_203 = vector.broadcast %jit3A_201 : i32 to vector<144x512xi32>
    %max3A_204 = arith.maxsi %max3A_203, %sub3A_200 : vector<144x512xi32>
    %min3A_205 = vector.broadcast %jit3A_202 : i32 to vector<144x512xi32>
    %min3A_206 = arith.minsi %min3A_205, %max3A_204 : vector<144x512xi32>
    %jit3A_207 = arith.constant 0.000000e+00 : f32
    %broadcast_in_dim3A = vector.broadcast %jit3A_207 : f32 to vector<144x512xf32>
    %select_n3A_208 = arith.select %and3A_197, %sqrt3A, %broadcast_in_dim3A : vector<144x512xi1>, vector<144x512xf32>
    %get3A_209 = arith.constant 0 : index
    %get3A_210 = arith.constant 0 : index
    %get3A_211 = vector.load %arg2[%get3A_209, %get3A_210] : memref<144x128xi32, #tpu.memory_space<vmem>>, vector<144x128xi32>
    %slice3A_212 = vector.extract_strided_slice %get3A_211 {offsets = [0, 0], sizes = [144, 1], strides = [1, 1]} : vector<144x128xi32> to vector<144x1xi32>
    %mul3A_213 = arith.constant 82 : i32
    %mul3A_214 = vector.broadcast %mul3A_213 : i32 to vector<144x512xi32>
    %mul3A_215 = arith.muli %min3A_206, %mul3A_214 : vector<144x512xi32>
    %add3A_216 = vector.broadcast %slice3A_212 : vector<144x1xi32> to vector<144x512xi32>
    %add3A_217 = arith.addi %mul3A_215, %add3A_216 : vector<144x512xi32>
    %and3A_218 = arith.constant 15 : i32
    %and3A_219 = vector.broadcast %and3A_218 : i32 to vector<144x512xi32>
    %and3A_220 = arith.andi %iota3A, %and3A_219 : vector<144x512xi32>
    %select_n3A_221 = arith.select %and3A_197, %add3A_217, %and3A_220 : vector<144x512xi1>, vector<144x512xi32>
    %swap3A = arith.constant 0 : index
    %swap3A_222 = arith.constant 0 : index
    %swap3A_223 = vector.load %arg5[%swap3A, %swap3A_222] : memref<144x512xi32, #tpu.memory_space<vmem>>, vector<144x512xi32>
    tpu.vector_store %arg5[%swap3A, %swap3A_222], %select_n3A_221 {strides = array<i32>} : memref<144x512xi32, #tpu.memory_space<vmem>>, vector<144x512xi32>,
    %swap3A_224 = arith.constant 0 : index
    %swap3A_225 = arith.constant 0 : index
    %swap3A_226 = vector.load %arg6[%swap3A_224, %swap3A_225] : memref<144x512xf32, #tpu.memory_space<vmem>>, vector<144x512xf32>
    tpu.vector_store %arg6[%swap3A_224, %swap3A_225], %select_n3A_208 {strides = array<i32>} : memref<144x512xf32, #tpu.memory_space<vmem>>, vector<144x512xf32>,
    return
  }
  func.func @transform_1(%arg0: i32) -> (i32, i32) {
    %add3A = arith.constant 9 : i32
    %add3A_0 = arith.addi %arg0, %add3A : i32
    %c0_i32 = arith.constant 0 : i32
    %c0_i32_1 = arith.constant 0 : i32
    return %add3A_0, %c0_i32 : i32, i32
  }
  func.func @transform_2(%arg0: i32) -> (i32, i32) {
    %c0_i32 = arith.constant 0 : i32
    %c0_i32_0 = arith.constant 0 : i32
    %c0_i32_1 = arith.constant 0 : i32
    return %c0_i32, %c0_i32_0 : i32, i32
  }
  func.func @transform_3(%arg0: i32) -> (i32, i32) {
    %c0_i32 = arith.constant 0 : i32
    %c0_i32_0 = arith.constant 0 : i32
    %c0_i32_1 = arith.constant 0 : i32
    return %c0_i32, %c0_i32_0 : i32, i32
  }
  func.func @transform_4(%arg0: i32) -> (i32, i32) {
    %c0_i32 = arith.constant 0 : i32
    %c0_i32_0 = arith.constant 0 : i32
    return %arg0, %c0_i32 : i32, i32
  }
  func.func @transform_5(%arg0: i32) -> (i32, i32) {
    %c0_i32 = arith.constant 0 : i32
    %c0_i32_0 = arith.constant 0 : i32
    return %arg0, %c0_i32 : i32, i32
  }
}

module attributes {stable_mosaic.version = 14 : i64} {
  func.func @_k1_body(%arg0: i32, %arg1: memref<2600x256xf32, #tpu.memory_space<any>>, %arg2: memref<144x128xi32, #tpu.memory_space<vmem>>, %arg3: memref<1024x2048xbf16, #tpu.memory_space<vmem>>, %arg4: memref<1024x2048xbf16, #tpu.memory_space<vmem>>, %arg5: memref<144x512xi32, #tpu.memory_space<vmem>>, %arg6: memref<144x512xf32, #tpu.memory_space<vmem>>, %arg7: memref<2x152x256xf32, #tpu.memory_space<vmem>>, %arg8: memref<2x!tpu.dma_semaphore, #tpu.memory_space<semaphore_mem>>) attributes {dimension_semantics = [#tpu.dimension_semantics<arbitrary>], iteration_bounds = array<i64: 9>, scalar_prefetch = 0 : i64, scratch_operands = 2 : i64, tpu.core_type = #tpu.core_type<tc>, window_params = [{}, {transform_indices = @transform_1, window_bounds = array<i64: 144, 128>}, {pipeline_mode = #tpu.pipeline_mode<synchronous>, transform_indices = @transform_2, window_bounds = array<i64: 1024, 2048>}, {pipeline_mode = #tpu.pipeline_mode<synchronous>, transform_indices = @transform_3, window_bounds = array<i64: 1024, 2048>}, {transform_indices = @transform_4, window_bounds = array<i64: 144, 512>}, {transform_indices = @transform_5, window_bounds = array<i64: 144, 512>}]} {
    %rem3A = arith.constant 2 : i32
    %rem3A_0 = arith.remsi %arg0, %rem3A : i32
    %add3A = arith.constant 1 : i32
    %add3A_1 = arith.addi %arg0, %add3A : i32
    %rem3A_2 = arith.constant 2 : i32
    %rem3A_3 = arith.remsi %add3A_1, %rem3A_2 : i32
    %eq3A = arith.constant 0 : i32
    %eq3A_4 = arith.cmpi eq, %arg0, %eq3A : i32
    %convert_element_type3A = arith.extui %eq3A_4 : i1 to i32
    %cond3A = arith.constant 0 : i32
    %cond3A_5 = arith.cmpi ne, %convert_element_type3A, %cond3A : i32
    scf.if %cond3A_5 {
      %dma_start3A = arith.constant 0 : i32
      %dma_start3A_227 = arith.constant 0 : i32
      %dma_start3A_228 = tpu.memref_slice %arg8[%dma_start3A_227] : memref<2x!tpu.dma_semaphore, #tpu.memory_space<semaphore_mem>> -> memref<1x!tpu.dma_semaphore, #tpu.memory_space<semaphore_mem>>
      %dma_start3A_229 = tpu.memref_squeeze %dma_start3A_228 : memref<1x!tpu.dma_semaphore, #tpu.memory_space<semaphore_mem>> -> memref<!tpu.dma_semaphore, #tpu.memory_space<semaphore_mem>>
      %dma_start3A_230 = arith.constant 0 : i32
      %dma_start3A_231 = arith.constant 0 : i32
      %dma_start3A_232 = tpu.memref_slice %arg7[%dma_start3A, %dma_start3A_230, %dma_start3A_231] : memref<2x152x256xf32, #tpu.memory_space<vmem>> -> memref<1x152x256xf32, #tpu.memory_space<vmem>>
      %dma_start3A_233 = tpu.memref_squeeze %dma_start3A_232 : memref<1x152x256xf32, #tpu.memory_space<vmem>> -> memref<152x256xf32, #tpu.memory_space<vmem>>
      %dma_start3A_234 = arith.constant 0 : i32
      %dma_start3A_235 = arith.constant 0 : i32
      %dma_start3A_236 = tpu.memref_slice %arg1[%dma_start3A_234, %dma_start3A_235] : memref<2600x256xf32, #tpu.memory_space<any>> -> memref<152x256xf32, #tpu.memory_space<any>>
      tpu.enqueue_dma source(%dma_start3A_236 : memref<152x256xf32, #tpu.memory_space<any>>) target(%dma_start3A_233 : memref<152x256xf32, #tpu.memory_space<vmem>>) target_semaphore(%dma_start3A_229 : memref<!tpu.dma_semaphore, #tpu.memory_space<semaphore_mem>>)
    } else {
    }
    %add3A_6 = arith.constant 1 : i32
    %add3A_7 = arith.addi %arg0, %add3A_6 : i32
    %lt3A = arith.constant 9 : i32
    %lt3A_8 = arith.cmpi slt, %add3A_7, %lt3A : i32
    %convert_element_type3A_9 = arith.extui %lt3A_8 : i1 to i32
    %cond3A_10 = arith.constant 0 : i32
    %cond3A_11 = arith.cmpi ne, %convert_element_type3A_9, %cond3A_10 : i32
    scf.if %cond3A_11 {
      %add3A_227 = arith.constant 1 : i32
      %add3A_228 = arith.addi %arg0, %add3A_227 : i32
      %mul3A_229 = arith.constant 144 : i32
      %mul3A_230 = arith.muli %add3A_228, %mul3A_229 : i32
      %add3A_231 = arith.constant 0 : i32
      %add3A_232 = arith.addi %add3A_231, %mul3A_230 : i32
      %dma_start3A = tpu.memref_slice %arg8[%rem3A_3] : memref<2x!tpu.dma_semaphore, #tpu.memory_space<semaphore_mem>> -> memref<1x!tpu.dma_semaphore, #tpu.memory_space<semaphore_mem>>
      %dma_start3A_233 = tpu.memref_squeeze %dma_start3A : memref<1x!tpu.dma_semaphore, #tpu.memory_space<semaphore_mem>> -> memref<!tpu.dma_semaphore, #tpu.memory_space<semaphore_mem>>
      %dma_start3A_234 = arith.constant 0 : i32
      %dma_start3A_235 = arith.constant 0 : i32
      %dma_start3A_236 = tpu.memref_slice %arg7[%rem3A_3, %dma_start3A_234, %dma_start3A_235] : memref<2x152x256xf32, #tpu.memory_space<vmem>> -> memref<1x152x256xf32, #tpu.memory_space<vmem>>
      %dma_start3A_237 = tpu.memref_squeeze %dma_start3A_236 : memref<1x152x256xf32, #tpu.memory_space<vmem>> -> memref<152x256xf32, #tpu.memory_space<vmem>>
      %dma_start3A_238 = arith.constant 0 : i32
      %dma_start3A_239 = tpu.memref_slice %arg1[%add3A_232, %dma_start3A_238] : memref<2600x256xf32, #tpu.memory_space<any>> -> memref<152x256xf32, #tpu.memory_space<any>>
      tpu.enqueue_dma source(%dma_start3A_239 : memref<152x256xf32, #tpu.memory_space<any>>) target(%dma_start3A_237 : memref<152x256xf32, #tpu.memory_space<vmem>>) target_semaphore(%dma_start3A_233 : memref<!tpu.dma_semaphore, #tpu.memory_space<semaphore_mem>>)
    } else {
    }
    %mul3A = arith.constant 144 : i32
    %mul3A_12 = arith.muli %arg0, %mul3A : i32
    %add3A_13 = arith.constant 0 : i32
    %add3A_14 = arith.addi %add3A_13, %mul3A_12 : i32
    %dma_wait3A = tpu.memref_slice %arg8[%rem3A_0] : memref<2x!tpu.dma_semaphore, #tpu.memory_space<semaphore_mem>> -> memref<1x!tpu.dma_semaphore, #tpu.memory_space<semaphore_mem>>
    %dma_wait3A_15 = tpu.memref_squeeze %dma_wait3A : memref<1x!tpu.dma_semaphore, #tpu.memory_space<semaphore_mem>> -> memref<!tpu.dma_semaphore, #tpu.memory_space<semaphore_mem>>
    %dma_wait3A_16 = arith.constant 0 : i32
    %dma_wait3A_17 = arith.constant 0 : i32
    %dma_wait3A_18 = tpu.memref_slice %arg7[%rem3A_0, %dma_wait3A_16, %dma_wait3A_17] : memref<2x152x256xf32, #tpu.memory_space<vmem>> -> memref<1x152x256xf32, #tpu.memory_space<vmem>>
    %dma_wait3A_19 = tpu.memref_squeeze %dma_wait3A_18 : memref<1x152x256xf32, #tpu.memory_space<vmem>> -> memref<152x256xf32, #tpu.memory_space<vmem>>
    %dma_wait3A_20 = arith.constant 0 : i32
    %dma_wait3A_21 = tpu.memref_slice %arg1[%add3A_14, %dma_wait3A_20] : memref<2600x256xf32, #tpu.memory_space<any>> -> memref<152x256xf32, #tpu.memory_space<any>>
    tpu.wait_dma2 semaphore(%dma_wait3A_15 : memref<!tpu.dma_semaphore, #tpu.memory_space<semaphore_mem>>) src(%dma_wait3A_21 : memref<152x256xf32, #tpu.memory_space<any>>) dst(%dma_wait3A_19 : memref<152x256xf32, #tpu.memory_space<vmem>>)
    %get3A = arith.constant 0 : i32
    %get3A_22 = arith.constant 0 : i32
    %get3A_23 = tpu.memref_slice %arg7[%rem3A_0, %get3A, %get3A_22] : memref<2x152x256xf32, #tpu.memory_space<vmem>> -> memref<1x152x256xf32, #tpu.memory_space<vmem>>
    %get3A_24 = tpu.memref_squeeze %get3A_23 : memref<1x152x256xf32, #tpu.memory_space<vmem>> -> memref<152x256xf32, #tpu.memory_space<vmem>>
    %get3A_25 = arith.constant 0 : index
    %get3A_26 = arith.constant 0 : index
    %get3A_27 = vector.load %get3A_24[%get3A_25, %get3A_26] : memref<152x256xf32, #tpu.memory_space<vmem>>, vector<144x256xf32>
    %get3A_28 = arith.constant 0 : i32
    %get3A_29 = arith.constant 0 : i32
    %get3A_30 = tpu.memref_slice %arg7[%rem3A_0, %get3A_28, %get3A_29] : memref<2x152x256xf32, #tpu.memory_space<vmem>> -> memref<1x152x256xf32, #tpu.memory_space<vmem>>
    %get3A_31 = tpu.memref_squeeze %get3A_30 : memref<1x152x256xf32, #tpu.memory_space<vmem>> -> memref<152x256xf32, #tpu.memory_space<vmem>>
    %get3A_32 = arith.constant 1 : index
    %get3A_33 = arith.constant 0 : index
    %get3A_34 = vector.load %get3A_31[%get3A_32, %get3A_33] : memref<152x256xf32, #tpu.memory_space<vmem>>, vector<144x256xf32>
    %get3A_35 = arith.constant 0 : i32
    %get3A_36 = arith.constant 0 : i32
    %get3A_37 = tpu.memref_slice %arg7[%rem3A_0, %get3A_35, %get3A_36] : memref<2x152x256xf32, #tpu.memory_space<vmem>> -> memref<1x152x256xf32, #tpu.memory_space<vmem>>
    %get3A_38 = tpu.memref_squeeze %get3A_37 : memref<1x152x256xf32, #tpu.memory_space<vmem>> -> memref<152x256xf32, #tpu.memory_space<vmem>>
    %get3A_39 = arith.constant 2 : index
    %get3A_40 = arith.constant 0 : index
    %get3A_41 = vector.load %get3A_38[%get3A_39, %get3A_40] : memref<152x256xf32, #tpu.memory_space<vmem>>, vector<144x256xf32>
    %get3A_42 = arith.constant 0 : i32
    %get3A_43 = arith.constant 0 : i32
    %get3A_44 = tpu.memref_slice %arg7[%rem3A_0, %get3A_42, %get3A_43] : memref<2x152x256xf32, #tpu.memory_space<vmem>> -> memref<1x152x256xf32, #tpu.memory_space<vmem>>
    %get3A_45 = tpu.memref_squeeze %get3A_44 : memref<1x152x256xf32, #tpu.memory_space<vmem>> -> memref<152x256xf32, #tpu.memory_space<vmem>>
    %get3A_46 = arith.constant 3 : index
    %get3A_47 = arith.constant 0 : index
    %get3A_48 = vector.load %get3A_45[%get3A_46, %get3A_47] : memref<152x256xf32, #tpu.memory_space<vmem>>, vector<144x256xf32>
    %concatenate3A = tpu.concatenate %get3A_27, %get3A_34, %get3A_41, %get3A_48 in 1 : vector<144x256xf32>, vector<144x256xf32>, vector<144x256xf32>, vector<144x256xf32> -> vector<144x1024xf32>
    %jit3A = arith.constant -1.000000e+00 : f32
    %jit3A_49 = arith.constant 1.000000e+00 : f32
    %max3A = vector.broadcast %jit3A : f32 to vector<144x1024xf32>
    %max3A_50 = arith.maximumf %max3A, %concatenate3A : vector<144x1024xf32>
    %min3A = vector.broadcast %jit3A_49 : f32 to vector<144x1024xf32>
    %min3A_51 = arith.minimumf %min3A, %max3A_50 : vector<144x1024xf32>
    %convert_element_type3A_52 = arith.truncf %min3A_51 : vector<144x1024xf32> to vector<144x1024xbf16>
    %convert_element_type3A_53 = arith.extf %convert_element_type3A_52 : vector<144x1024xbf16> to vector<144x1024xf32>
    %sub3A = arith.subf %min3A_51, %convert_element_type3A_53 : vector<144x1024xf32>
    %convert_element_type3A_54 = arith.truncf %sub3A : vector<144x1024xf32> to vector<144x1024xbf16>
    %get3A_55 = arith.constant 0 : index
    %get3A_56 = arith.constant 0 : index
    %get3A_57 = vector.load %arg3[%get3A_55, %get3A_56] : memref<1024x2048xbf16, #tpu.memory_space<vmem>>, vector<1024x2048xbf16>
    %dot_general3A = arith.constant dense<0.000000e+00> : vector<144x2048xf32>
    %dot_general3A_58 = tpu.matmul %convert_element_type3A_52, %get3A_57, %dot_general3A {dimension_numbers = #tpu.dot_dimension_numbers<[1], [0], [0], [1], [0, 0, 1, 1], [], []>, transpose_lhs_hint = false} : vector<144x1024xbf16>, vector<1024x2048xbf16>, vector<144x2048xf32> -> vector<144x2048xf32>
    %get3A_59 = arith.constant 0 : index
    %get3A_60 = arith.constant 0 : index
    %get3A_61 = vector.load %arg4[%get3A_59, %get3A_60] : memref<1024x2048xbf16, #tpu.memory_space<vmem>>, vector<1024x2048xbf16>
    %dot_general3A_62 = arith.constant dense<0.000000e+00> : vector<144x2048xf32>
    %dot_general3A_63 = tpu.matmul %convert_element_type3A_52, %get3A_61, %dot_general3A_62 {dimension_numbers = #tpu.dot_dimension_numbers<[1], [0], [0], [1], [0, 0, 1, 1], [], []>, transpose_lhs_hint = false} : vector<144x1024xbf16>, vector<1024x2048xbf16>, vector<144x2048xf32> -> vector<144x2048xf32>
    %add3A_64 = arith.addf %dot_general3A_58, %dot_general3A_63 : vector<144x2048xf32>
    %get3A_65 = arith.constant 0 : index
    %get3A_66 = arith.constant 0 : index
    %get3A_67 = vector.load %arg3[%get3A_65, %get3A_66] : memref<1024x2048xbf16, #tpu.memory_space<vmem>>, vector<1024x2048xbf16>
    %dot_general3A_68 = arith.constant dense<0.000000e+00> : vector<144x2048xf32>
    %dot_general3A_69 = tpu.matmul %convert_element_type3A_54, %get3A_67, %dot_general3A_68 {dimension_numbers = #tpu.dot_dimension_numbers<[1], [0], [0], [1], [0, 0, 1, 1], [], []>, transpose_lhs_hint = false} : vector<144x1024xbf16>, vector<1024x2048xbf16>, vector<144x2048xf32> -> vector<144x2048xf32>
    %add3A_70 = arith.addf %add3A_64, %dot_general3A_69 : vector<144x2048xf32>
    %slice3A = vector.extract_strided_slice %add3A_70 {offsets = [0, 0], sizes = [144, 512], strides = [1, 1]} : vector<144x2048xf32> to vector<144x512xf32>
    %slice3A_71 = vector.extract_strided_slice %add3A_70 {offsets = [0, 512], sizes = [144, 512], strides = [1, 1]} : vector<144x2048xf32> to vector<144x512xf32>
    %slice3A_72 = vector.extract_strided_slice %add3A_70 {offsets = [0, 1024], sizes = [144, 512], strides = [1, 1]} : vector<144x2048xf32> to vector<144x512xf32>
    %slice3A_73 = vector.extract_strided_slice %add3A_70 {offsets = [0, 1536], sizes = [144, 512], strides = [1, 1]} : vector<144x2048xf32> to vector<144x512xf32>
    %mul3A_74 = arith.mulf %slice3A, %slice3A : vector<144x512xf32>
    %mul3A_75 = arith.mulf %slice3A_71, %slice3A_71 : vector<144x512xf32>
    %add3A_76 = arith.addf %mul3A_74, %mul3A_75 : vector<144x512xf32>
    %sqrt3A = math.sqrt %add3A_76 : vector<144x512xf32>
    %mul3A_77 = arith.mulf %slice3A_73, %slice3A : vector<144x512xf32>
    %mul3A_78 = arith.mulf %slice3A_72, %slice3A_71 : vector<144x512xf32>
    %sub3A_79 = arith.subf %mul3A_77, %mul3A_78 : vector<144x512xf32>
    %neg3A = arith.constant 0.000000e+00 : f32
    %neg3A_80 = vector.broadcast %neg3A : f32 to vector<144x512xf32>
    %neg3A_81 = arith.subf %neg3A_80, %sub3A_79 : vector<144x512xf32>
    %max3A_82 = arith.constant 1.000000e-30 : f32
    %max3A_83 = vector.broadcast %max3A_82 : f32 to vector<144x512xf32>
    %max3A_84 = arith.maximumf %add3A_76, %max3A_83 : vector<144x512xf32>
    %div3A = arith.divf %neg3A_81, %max3A_84 : vector<144x512xf32>
    %mul3A_85 = arith.constant 3509.36646 : f32
    %mul3A_86 = vector.broadcast %mul3A_85 : f32 to vector<144x512xf32>
    %mul3A_87 = arith.mulf %div3A, %mul3A_86 : vector<144x512xf32>
    %iota3A = tpu.iota {dimensions = array<i32: 1>} : vector<144x512xi32>
    %convert_element_type3A_88 = arith.sitofp %iota3A : vector<144x512xi32> to vector<144x512xf32>
    %mul3A_89 = arith.constant 21.5332031 : f32
    %mul3A_90 = vector.broadcast %mul3A_89 : f32 to vector<144x512xf32>
    %mul3A_91 = arith.mulf %convert_element_type3A_88, %mul3A_90 : vector<144x512xf32>
    %gt3A = arith.constant 0.000000e+00 : f32
    %gt3A_92 = vector.broadcast %gt3A : f32 to vector<144x512xf32>
    %gt3A_93 = arith.cmpf ogt, %add3A_76, %gt3A_92 : vector<144x512xf32>
    %add3A_94 = arith.addf %mul3A_91, %mul3A_87 : vector<144x512xf32>
    %select_n3A = arith.select %gt3A_93, %add3A_94, %mul3A_91 : vector<144x512xi1>, vector<144x512xf32>
    %max3A_95 = arith.constant 0.000000e+00 : f32
    %max3A_96 = vector.broadcast %max3A_95 : f32 to vector<144x512xf32>
    %max3A_97 = arith.maximumf %select_n3A, %max3A_96 : vector<144x512xf32>
    %bitcast_convert_type3A = tpu.bitcast %max3A_97 : vector<144x512xf32> -> vector<144x512xi32>
    %and3A = arith.constant 8388607 : i32
    %and3A_98 = vector.broadcast %and3A : i32 to vector<144x512xi32>
    %and3A_99 = arith.andi %bitcast_convert_type3A, %and3A_98 : vector<144x512xi32>
    %shift_right_arithmetic3A = arith.constant 23 : i32
    %shift_right_arithmetic3A_100 = vector.broadcast %shift_right_arithmetic3A : i32 to vector<144x512xi32>
    %shift_right_arithmetic3A_101 = arith.shrsi %bitcast_convert_type3A, %shift_right_arithmetic3A_100 : vector<144x512xi32>
    %mul3A_102 = arith.constant 12 : i32
    %mul3A_103 = vector.broadcast %mul3A_102 : i32 to vector<144x512xi32>
    %mul3A_104 = arith.muli %shift_right_arithmetic3A_101, %mul3A_103 : vector<144x512xi32>
    %sub3A_105 = arith.constant 1580 : i32
    %sub3A_106 = vector.broadcast %sub3A_105 : i32 to vector<144x512xi32>
    %sub3A_107 = arith.subi %mul3A_104, %sub3A_106 : vector<144x512xi32>
    %ge3A = arith.constant 439225 : i32
    %ge3A_108 = vector.broadcast %ge3A : i32 to vector<144x512xi32>
    %ge3A_109 = arith.cmpi sge, %and3A_99, %ge3A_108 : vector<144x512xi32>
    %convert_element_type3A_110 = arith.extui %ge3A_109 : vector<144x512xi1> to vector<144x512xi32>
    %add3A_111 = arith.addi %sub3A_107, %convert_element_type3A_110 : vector<144x512xi32>
    %ge3A_112 = arith.constant 964156 : i32
    %ge3A_113 = vector.broadcast %ge3A_112 : i32 to vector<144x512xi32>
    %ge3A_114 = arith.cmpi sge, %and3A_99, %ge3A_113 : vector<144x512xi32>
    %convert_element_type3A_115 = arith.extui %ge3A_114 : vector<144x512xi1> to vector<144x512xi32>
    %add3A_116 = arith.addi %add3A_111, %convert_element_type3A_115 : vector<144x512xi32>
    %ge3A_117 = arith.constant 1520300 : i32
    %ge3A_118 = vector.broadcast %ge3A_117 : i32 to vector<144x512xi32>
    %ge3A_119 = arith.cmpi sge, %and3A_99, %ge3A_118 : vector<144x512xi32>
    %convert_element_type3A_120 = arith.extui %ge3A_119 : vector<144x512xi1> to vector<144x512xi32>
    %add3A_121 = arith.addi %add3A_116, %convert_element_type3A_120 : vector<144x512xi32>
    %ge3A_122 = arith.constant 2109514 : i32
    %ge3A_123 = vector.broadcast %ge3A_122 : i32 to vector<144x512xi32>
    %ge3A_124 = arith.cmpi sge, %and3A_99, %ge3A_123 : vector<144x512xi32>
    %convert_element_type3A_125 = arith.extui %ge3A_124 : vector<144x512xi1> to vector<144x512xi32>
    %add3A_126 = arith.addi %add3A_121, %convert_element_type3A_125 : vector<144x512xi32>
    %ge3A_127 = arith.constant 2733765 : i32
    %ge3A_128 = vector.broadcast %ge3A_127 : i32 to vector<144x512xi32>
    %ge3A_129 = arith.cmpi sge, %and3A_99, %ge3A_128 : vector<144x512xi32>
    %convert_element_type3A_130 = arith.extui %ge3A_129 : vector<144x512xi1> to vector<144x512xi32>
    %add3A_131 = arith.addi %add3A_126, %convert_element_type3A_130 : vector<144x512xi32>
    %ge3A_132 = arith.constant 3395136 : i32
    %ge3A_133 = vector.broadcast %ge3A_132 : i32 to vector<144x512xi32>
    %ge3A_134 = arith.cmpi sge, %and3A_99, %ge3A_133 : vector<144x512xi32>
    %convert_element_type3A_135 = arith.extui %ge3A_134 : vector<144x512xi1> to vector<144x512xi32>
    %add3A_136 = arith.addi %add3A_131, %convert_element_type3A_135 : vector<144x512xi32>
    %ge3A_137 = arith.constant 4095834 : i32
    %ge3A_138 = vector.broadcast %ge3A_137 : i32 to vector<144x512xi32>
    %ge3A_139 = arith.cmpi sge, %and3A_99, %ge3A_138 : vector<144x512xi32>
    %convert_element_type3A_140 = arith.extui %ge3A_139 : vector<144x512xi1> to vector<144x512xi32>
    %add3A_141 = arith.addi %add3A_136, %convert_element_type3A_140 : vector<144x512xi32>
    %ge3A_142 = arith.constant 4838197 : i32
    %ge3A_143 = vector.broadcast %ge3A_142 : i32 to vector<144x512xi32>
    %ge3A_144 = arith.cmpi sge, %and3A_99, %ge3A_143 : vector<144x512xi32>
    %convert_element_type3A_145 = arith.extui %ge3A_144 : vector<144x512xi1> to vector<144x512xi32>
    %add3A_146 = arith.addi %add3A_141, %convert_element_type3A_145 : vector<144x512xi32>
    %ge3A_147 = arith.constant 5624704 : i32
    %ge3A_148 = vector.broadcast %ge3A_147 : i32 to vector<144x512xi32>
    %ge3A_149 = arith.cmpi sge, %and3A_99, %ge3A_148 : vector<144x512xi32>
    %convert_element_type3A_150 = arith.extui %ge3A_149 : vector<144x512xi1> to vector<144x512xi32>
    %add3A_151 = arith.addi %add3A_146, %convert_element_type3A_150 : vector<144x512xi32>
    %ge3A_152 = arith.constant 6457979 : i32
    %ge3A_153 = vector.broadcast %ge3A_152 : i32 to vector<144x512xi32>
    %ge3A_154 = arith.cmpi sge, %and3A_99, %ge3A_153 : vector<144x512xi32>
    %convert_element_type3A_155 = arith.extui %ge3A_154 : vector<144x512xi1> to vector<144x512xi32>
    %add3A_156 = arith.addi %add3A_151, %convert_element_type3A_155 : vector<144x512xi32>
    %ge3A_157 = arith.constant 7340803 : i32
    %ge3A_158 = vector.broadcast %ge3A_157 : i32 to vector<144x512xi32>
    %ge3A_159 = arith.cmpi sge, %and3A_99, %ge3A_158 : vector<144x512xi32>
    %convert_element_type3A_160 = arith.extui %ge3A_159 : vector<144x512xi1> to vector<144x512xi32>
    %add3A_161 = arith.addi %add3A_156, %convert_element_type3A_160 : vector<144x512xi32>
    %ge3A_162 = arith.constant 8276122 : i32
    %ge3A_163 = vector.broadcast %ge3A_162 : i32 to vector<144x512xi32>
    %ge3A_164 = arith.cmpi sge, %and3A_99, %ge3A_163 : vector<144x512xi32>
    %convert_element_type3A_165 = arith.extui %ge3A_164 : vector<144x512xi1> to vector<144x512xi32>
    %add3A_166 = arith.addi %add3A_161, %convert_element_type3A_165 : vector<144x512xi32>
    %eq3A_167 = arith.constant 1107183770 : i32
    %eq3A_168 = vector.broadcast %eq3A_167 : i32 to vector<144x512xi32>
    %eq3A_169 = arith.cmpi eq, %bitcast_convert_type3A, %eq3A_168 : vector<144x512xi32>
    %convert_element_type3A_170 = arith.extui %eq3A_169 : vector<144x512xi1> to vector<144x512xi32>
    %sub3A_171 = arith.subi %add3A_166, %convert_element_type3A_170 : vector<144x512xi32>
    %eq3A_172 = arith.constant 1161723737 : i32
    %eq3A_173 = vector.broadcast %eq3A_172 : i32 to vector<144x512xi32>
    %eq3A_174 = arith.cmpi eq, %bitcast_convert_type3A, %eq3A_173 : vector<144x512xi32>
    %convert_element_type3A_175 = arith.extui %eq3A_174 : vector<144x512xi1> to vector<144x512xi32>
    %add3A_176 = arith.addi %sub3A_171, %convert_element_type3A_175 : vector<144x512xi32>
    %ge3A_177 = arith.constant 1 : i32
    %ge3A_178 = vector.broadcast %ge3A_177 : i32 to vector<144x512xi32>
    %ge3A_179 = arith.cmpi sge, %add3A_176, %ge3A_178 : vector<144x512xi32>
    %le3A = arith.constant 88 : i32
    %le3A_180 = vector.broadcast %le3A : i32 to vector<144x512xi32>
    %le3A_181 = arith.cmpi sle, %add3A_176, %le3A_180 : vector<144x512xi32>
    %eq3A_182 = arith.constant 4310.46533 : f32
    %eq3A_183 = vector.broadcast %eq3A_182 : f32 to vector<144x512xf32>
    %eq3A_184 = arith.cmpf oeq, %select_n3A, %eq3A_183 : vector<144x512xf32>
    %or3A = arith.ori %le3A_181, %eq3A_184 : vector<144x512xi1>
    %and3A_185 = arith.andi %ge3A_179, %or3A : vector<144x512xi1>
    %iota3A_186 = tpu.iota {dimensions = array<i32: 0>} : vector<144x512xi32>
    %mul3A_187 = arith.constant 144 : i32
    %mul3A_188 = arith.muli %arg0, %mul3A_187 : i32
    %add3A_189 = vector.broadcast %mul3A_188 : i32 to vector<144x512xi32>
    %add3A_190 = arith.addi %iota3A_186, %add3A_189 : vector<144x512xi32>
    %add3A_191 = arith.constant 0 : i32
    %add3A_192 = vector.broadcast %add3A_191 : i32 to vector<144x512xi32>
    %add3A_193 = arith.addi %add3A_190, %add3A_192 : vector<144x512xi32>
    %lt3A_194 = arith.constant 2584 : i32
    %lt3A_195 = vector.broadcast %lt3A_194 : i32 to vector<144x512xi32>
    %lt3A_196 = arith.cmpi slt, %add3A_193, %lt3A_195 : vector<144x512xi32>
    %and3A_197 = arith.andi %and3A_185, %lt3A_196 : vector<144x512xi1>
    %sub3A_198 = arith.constant 1 : i32
    %sub3A_199 = vector.broadcast %sub3A_198 : i32 to vector<144x512xi32>
    %sub3A_200 = arith.subi %add3A_176, %sub3A_199 : vector<144x512xi32>
    %jit3A_201 = arith.constant 0 : i32
    %jit3A_202 = arith.constant 87 : i32
    %max3A_203 = vector.broadcast %jit3A_201 : i32 to vector<144x512xi32>
    %max3A_204 = arith.maxsi %max3A_203, %sub3A_200 : vector<144x512xi32>
    %min3A_205 = vector.broadcast %jit3A_202 : i32 to vector<144x512xi32>
    %min3A_206 = arith.minsi %min3A_205, %max3A_204 : vector<144x512xi32>
    %jit3A_207 = arith.constant 0.000000e+00 : f32
    %broadcast_in_dim3A = vector.broadcast %jit3A_207 : f32 to vector<144x512xf32>
    %select_n3A_208 = arith.select %and3A_197, %sqrt3A, %broadcast_in_dim3A : vector<144x512xi1>, vector<144x512xf32>
    %get3A_209 = arith.constant 0 : index
    %get3A_210 = arith.constant 0 : index
    %get3A_211 = vector.load %arg2[%get3A_209, %get3A_210] : memref<144x128xi32, #tpu.memory_space<vmem>>, vector<144x128xi32>
    %slice3A_212 = vector.extract_strided_slice %get3A_211 {offsets = [0, 0], sizes = [144, 1], strides = [1, 1]} : vector<144x128xi32> to vector<144x1xi32>
    %mul3A_213 = arith.constant 82 : i32
    %mul3A_214 = vector.broadcast %mul3A_213 : i32 to vector<144x512xi32>
    %mul3A_215 = arith.muli %min3A_206, %mul3A_214 : vector<144x512xi32>
    %add3A_216 = vector.broadcast %slice3A_212 : vector<144x1xi32> to vector<144x512xi32>
    %add3A_217 = arith.addi %mul3A_215, %add3A_216 : vector<144x512xi32>
    %and3A_218 = arith.constant 15 : i32
    %and3A_219 = vector.broadcast %and3A_218 : i32 to vector<144x512xi32>
    %and3A_220 = arith.andi %iota3A, %and3A_219 : vector<144x512xi32>
    %select_n3A_221 = arith.select %and3A_197, %add3A_217, %and3A_220 : vector<144x512xi1>, vector<144x512xi32>
    %swap3A = arith.constant 0 : index
    %swap3A_222 = arith.constant 0 : index
    %swap3A_223 = vector.load %arg5[%swap3A, %swap3A_222] : memref<144x512xi32, #tpu.memory_space<vmem>>, vector<144x512xi32>
    tpu.vector_store %arg5[%swap3A, %swap3A_222], %select_n3A_221 {strides = array<i32>} : memref<144x512xi32, #tpu.memory_space<vmem>>, vector<144x512xi32>,
    %swap3A_224 = arith.constant 0 : index
    %swap3A_225 = arith.constant 0 : index
    %swap3A_226 = vector.load %arg6[%swap3A_224, %swap3A_225] : memref<144x512xf32, #tpu.memory_space<vmem>>, vector<144x512xf32>
    tpu.vector_store %arg6[%swap3A_224, %swap3A_225], %select_n3A_208 {strides = array<i32>} : memref<144x512xf32, #tpu.memory_space<vmem>>, vector<144x512xf32>,
    return
  }
  func.func @transform_1(%arg0: i32) -> (i32, i32) {
    %add3A = arith.constant 0 : i32
    %add3A_0 = arith.addi %arg0, %add3A : i32
    %c0_i32 = arith.constant 0 : i32
    %c0_i32_1 = arith.constant 0 : i32
    return %add3A_0, %c0_i32 : i32, i32
  }
  func.func @transform_2(%arg0: i32) -> (i32, i32) {
    %c0_i32 = arith.constant 0 : i32
    %c0_i32_0 = arith.constant 0 : i32
    %c0_i32_1 = arith.constant 0 : i32
    return %c0_i32, %c0_i32_0 : i32, i32
  }
  func.func @transform_3(%arg0: i32) -> (i32, i32) {
    %c0_i32 = arith.constant 0 : i32
    %c0_i32_0 = arith.constant 0 : i32
    %c0_i32_1 = arith.constant 0 : i32
    return %c0_i32, %c0_i32_0 : i32, i32
  }
  func.func @transform_4(%arg0: i32) -> (i32, i32) {
    %c0_i32 = arith.constant 0 : i32
    %c0_i32_0 = arith.constant 0 : i32
    return %arg0, %c0_i32 : i32, i32
  }
  func.func @transform_5(%arg0: i32) -> (i32, i32) {
    %c0_i32 = arith.constant 0 : i32
    %c0_i32_0 = arith.constant 0 : i32
    return %arg0, %c0_i32 : i32, i32
  }
}

module attributes {stable_mosaic.version = 14 : i64} {
  func.func @_k3_body(%arg0: memref<88x2624xf32, #tpu.memory_space<vmem>>, %arg1: memref<88x2624xf32, #tpu.memory_space<vmem>>, %arg2: memref<88x2584xf32, #tpu.memory_space<vmem>>, %arg3: memref<88x2624xf32, #tpu.memory_space<vmem>>) attributes {dimension_semantics = [], scalar_prefetch = 0 : i64, scratch_operands = 1 : i64, tpu.core_type = #tpu.core_type<tc>} {
    %broadcast_in_dim3A = arith.constant 0.000000e+00 : f32
    %broadcast_in_dim3A_0 = vector.broadcast %broadcast_in_dim3A : f32 to vector<88x2624xf32>
    %swap3A = arith.constant 0 : index
    %swap3A_1 = arith.constant 0 : index
    %swap3A_2 = vector.load %arg3[%swap3A, %swap3A_1] : memref<88x2624xf32, #tpu.memory_space<vmem>>, vector<88x2624xf32>
    tpu.vector_store %arg3[%swap3A, %swap3A_1], %broadcast_in_dim3A_0 {strides = array<i32>} : memref<88x2624xf32, #tpu.memory_space<vmem>>, vector<88x2624xf32>,
    %get3A = arith.constant 0 : index
    %get3A_3 = arith.constant 0 : index
    %get3A_4 = vector.load %arg3[%get3A, %get3A_3] : memref<88x2624xf32, #tpu.memory_space<vmem>>, vector<88x82xf32>
    %get3A_5 = arith.constant 0 : index
    %get3A_6 = arith.constant 0 : index
    %get3A_7 = vector.load %arg0[%get3A_5, %get3A_6] : memref<88x2624xf32, #tpu.memory_space<vmem>>, vector<88x82xf32>
    %add3A = arith.addf %get3A_4, %get3A_7 : vector<88x82xf32>
    %swap3A_8 = arith.constant 0 : index
    %swap3A_9 = arith.constant 0 : index
    %swap3A_10 = vector.load %arg3[%swap3A_8, %swap3A_9] : memref<88x2624xf32, #tpu.memory_space<vmem>>, vector<88x82xf32>
    tpu.vector_store %arg3[%swap3A_8, %swap3A_9], %add3A {strides = array<i32>} : memref<88x2624xf32, #tpu.memory_space<vmem>>, vector<88x82xf32>,
    %get3A_11 = arith.constant 0 : index
    %get3A_12 = arith.constant 0 : index
    %get3A_13 = vector.load %arg3[%get3A_11, %get3A_12] : memref<88x2624xf32, #tpu.memory_space<vmem>>, vector<88x82xf32>
    %get3A_14 = arith.constant 0 : index
    %get3A_15 = arith.constant 82 : index
    %get3A_16 = vector.load %arg0[%get3A_14, %get3A_15] : memref<88x2624xf32, #tpu.memory_space<vmem>>, vector<88x82xf32>
    %add3A_17 = arith.addf %get3A_13, %get3A_16 : vector<88x82xf32>
    %swap3A_18 = arith.constant 0 : index
    %swap3A_19 = arith.constant 0 : index
    %swap3A_20 = vector.load %arg3[%swap3A_18, %swap3A_19] : memref<88x2624xf32, #tpu.memory_space<vmem>>, vector<88x82xf32>
    tpu.vector_store %arg3[%swap3A_18, %swap3A_19], %add3A_17 {strides = array<i32>} : memref<88x2624xf32, #tpu.memory_space<vmem>>, vector<88x82xf32>,
    %get3A_21 = arith.constant 0 : index
    %get3A_22 = arith.constant 81 : index
    %get3A_23 = vector.load %arg3[%get3A_21, %get3A_22] : memref<88x2624xf32, #tpu.memory_space<vmem>>, vector<88x82xf32>
    %get3A_24 = arith.constant 0 : index
    %get3A_25 = arith.constant 164 : index
    %get3A_26 = vector.load %arg0[%get3A_24, %get3A_25] : memref<88x2624xf32, #tpu.memory_space<vmem>>, vector<88x82xf32>
    %add3A_27 = arith.addf %get3A_23, %get3A_26 : vector<88x82xf32>
    %swap3A_28 = arith.constant 0 : index
    %swap3A_29 = arith.constant 81 : index
    %swap3A_30 = vector.load %arg3[%swap3A_28, %swap3A_29] : memref<88x2624xf32, #tpu.memory_space<vmem>>, vector<88x82xf32>
    tpu.vector_store %arg3[%swap3A_28, %swap3A_29], %add3A_27 {strides = array<i32>} : memref<88x2624xf32, #tpu.memory_space<vmem>>, vector<88x82xf32>,
    %get3A_31 = arith.constant 0 : index
    %get3A_32 = arith.constant 81 : index
    %get3A_33 = vector.load %arg3[%get3A_31, %get3A_32] : memref<88x2624xf32, #tpu.memory_space<vmem>>, vector<88x82xf32>
    %get3A_34 = arith.constant 0 : index
    %get3A_35 = arith.constant 246 : index
    %get3A_36 = vector.load %arg0[%get3A_34, %get3A_35] : memref<88x2624xf32, #tpu.memory_space<vmem>>, vector<88x82xf32>
    %add3A_37 = arith.addf %get3A_33, %get3A_36 : vector<88x82xf32>
    %swap3A_38 = arith.constant 0 : index
    %swap3A_39 = arith.constant 81 : index
    %swap3A_40 = vector.load %arg3[%swap3A_38, %swap3A_39] : memref<88x2624xf32, #tpu.memory_space<vmem>>, vector<88x82xf32>
    tpu.vector_store %arg3[%swap3A_38, %swap3A_39], %add3A_37 {strides = array<i32>} : memref<88x2624xf32, #tpu.memory_space<vmem>>, vector<88x82xf32>,
    %get3A_41 = arith.constant 0 : index
    %get3A_42 = arith.constant 162 : index
    %get3A_43 = vector.load %arg3[%get3A_41, %get3A_42] : memref<88x2624xf32, #tpu.memory_space<vmem>>, vector<88x82xf32>
    %get3A_44 = arith.constant 0 : index
    %get3A_45 = arith.constant 328 : index
    %get3A_46 = vector.load %arg0[%get3A_44, %get3A_45] : memref<88x2624xf32, #tpu.memory_space<vmem>>, vector<88x82xf32>
    %add3A_47 = arith.addf %get3A_43, %get3A_46 : vector<88x82xf32>
    %swap3A_48 = arith.constant 0 : index
    %swap3A_49 = arith.constant 162 : index
    %swap3A_50 = vector.load %arg3[%swap3A_48, %swap3A_49] : memref<88x2624xf32, #tpu.memory_space<vmem>>, vector<88x82xf32>
    tpu.vector_store %arg3[%swap3A_48, %swap3A_49], %add3A_47 {strides = array<i32>} : memref<88x2624xf32, #tpu.memory_space<vmem>>, vector<88x82xf32>,
    %get3A_51 = arith.constant 0 : index
    %get3A_52 = arith.constant 162 : index
    %get3A_53 = vector.load %arg3[%get3A_51, %get3A_52] : memref<88x2624xf32, #tpu.memory_space<vmem>>, vector<88x82xf32>
    %get3A_54 = arith.constant 0 : index
    %get3A_55 = arith.constant 410 : index
    %get3A_56 = vector.load %arg0[%get3A_54, %get3A_55] : memref<88x2624xf32, #tpu.memory_space<vmem>>, vector<88x82xf32>
    %add3A_57 = arith.addf %get3A_53, %get3A_56 : vector<88x82xf32>
    %swap3A_58 = arith.constant 0 : index
    %swap3A_59 = arith.constant 162 : index
    %swap3A_60 = vector.load %arg3[%swap3A_58, %swap3A_59] : memref<88x2624xf32, #tpu.memory_space<vmem>>, vector<88x82xf32>
    tpu.vector_store %arg3[%swap3A_58, %swap3A_59], %add3A_57 {strides = array<i32>} : memref<88x2624xf32, #tpu.memory_space<vmem>>, vector<88x82xf32>,
    %get3A_61 = arith.constant 0 : index
    %get3A_62 = arith.constant 243 : index
    %get3A_63 = vector.load %arg3[%get3A_61, %get3A_62] : memref<88x2624xf32, #tpu.memory_space<vmem>>, vector<88x82xf32>
    %get3A_64 = arith.constant 0 : index
    %get3A_65 = arith.constant 492 : index
    %get3A_66 = vector.load %arg0[%get3A_64, %get3A_65] : memref<88x2624xf32, #tpu.memory_space<vmem>>, vector<88x82xf32>
    %add3A_67 = arith.addf %get3A_63, %get3A_66 : vector<88x82xf32>
    %swap3A_68 = arith.constant 0 : index
    %swap3A_69 = arith.constant 243 : index
    %swap3A_70 = vector.load %arg3[%swap3A_68, %swap3A_69] : memref<88x2624xf32, #tpu.memory_space<vmem>>, vector<88x82xf32>
    tpu.vector_store %arg3[%swap3A_68, %swap3A_69], %add3A_67 {strides = array<i32>} : memref<88x2624xf32, #tpu.memory_space<vmem>>, vector<88x82xf32>,
    %get3A_71 = arith.constant 0 : index
    %get3A_72 = arith.constant 243 : index
    %get3A_73 = vector.load %arg3[%get3A_71, %get3A_72] : memref<88x2624xf32, #tpu.memory_space<vmem>>, vector<88x82xf32>
    %get3A_74 = arith.constant 0 : index
    %get3A_75 = arith.constant 574 : index
    %get3A_76 = vector.load %arg0[%get3A_74, %get3A_75] : memref<88x2624xf32, #tpu.memory_space<vmem>>, vector<88x82xf32>
    %add3A_77 = arith.addf %get3A_73, %get3A_76 : vector<88x82xf32>
    %swap3A_78 = arith.constant 0 : index
    %swap3A_79 = arith.constant 243 : index
    %swap3A_80 = vector.load %arg3[%swap3A_78, %swap3A_79] : memref<88x2624xf32, #tpu.memory_space<vmem>>, vector<88x82xf32>
    tpu.vector_store %arg3[%swap3A_78, %swap3A_79], %add3A_77 {strides = array<i32>} : memref<88x2624xf32, #tpu.memory_space<vmem>>, vector<88x82xf32>,
    %get3A_81 = arith.constant 0 : index
    %get3A_82 = arith.constant 324 : index
    %get3A_83 = vector.load %arg3[%get3A_81, %get3A_82] : memref<88x2624xf32, #tpu.memory_space<vmem>>, vector<88x82xf32>
    %get3A_84 = arith.constant 0 : index
    %get3A_85 = arith.constant 656 : index
    %get3A_86 = vector.load %arg0[%get3A_84, %get3A_85] : memref<88x2624xf32, #tpu.memory_space<vmem>>, vector<88x82xf32>
    %add3A_87 = arith.addf %get3A_83, %get3A_86 : vector<88x82xf32>
    %swap3A_88 = arith.constant 0 : index
    %swap3A_89 = arith.constant 324 : index
    %swap3A_90 = vector.load %arg3[%swap3A_88, %swap3A_89] : memref<88x2624xf32, #tpu.memory_space<vmem>>, vector<88x82xf32>
    tpu.vector_store %arg3[%swap3A_88, %swap3A_89], %add3A_87 {strides = array<i32>} : memref<88x2624xf32, #tpu.memory_space<vmem>>, vector<88x82xf32>,
    %get3A_91 = arith.constant 0 : index
    %get3A_92 = arith.constant 324 : index
    %get3A_93 = vector.load %arg3[%get3A_91, %get3A_92] : memref<88x2624xf32, #tpu.memory_space<vmem>>, vector<88x82xf32>
    %get3A_94 = arith.constant 0 : index
    %get3A_95 = arith.constant 738 : index
    %get3A_96 = vector.load %arg0[%get3A_94, %get3A_95] : memref<88x2624xf32, #tpu.memory_space<vmem>>, vector<88x82xf32>
    %add3A_97 = arith.addf %get3A_93, %get3A_96 : vector<88x82xf32>
    %swap3A_98 = arith.constant 0 : index
    %swap3A_99 = arith.constant 324 : index
    %swap3A_100 = vector.load %arg3[%swap3A_98, %swap3A_99] : memref<88x2624xf32, #tpu.memory_space<vmem>>, vector<88x82xf32>
    tpu.vector_store %arg3[%swap3A_98, %swap3A_99], %add3A_97 {strides = array<i32>} : memref<88x2624xf32, #tpu.memory_space<vmem>>, vector<88x82xf32>,
    %get3A_101 = arith.constant 0 : index
    %get3A_102 = arith.constant 405 : index
    %get3A_103 = vector.load %arg3[%get3A_101, %get3A_102] : memref<88x2624xf32, #tpu.memory_space<vmem>>, vector<88x82xf32>
    %get3A_104 = arith.constant 0 : index
    %get3A_105 = arith.constant 820 : index
    %get3A_106 = vector.load %arg0[%get3A_104, %get3A_105] : memref<88x2624xf32, #tpu.memory_space<vmem>>, vector<88x82xf32>
    %add3A_107 = arith.addf %get3A_103, %get3A_106 : vector<88x82xf32>
    %swap3A_108 = arith.constant 0 : index
    %swap3A_109 = arith.constant 405 : index
    %swap3A_110 = vector.load %arg3[%swap3A_108, %swap3A_109] : memref<88x2624xf32, #tpu.memory_space<vmem>>, vector<88x82xf32>
    tpu.vector_store %arg3[%swap3A_108, %swap3A_109], %add3A_107 {strides = array<i32>} : memref<88x2624xf32, #tpu.memory_space<vmem>>, vector<88x82xf32>,
    %get3A_111 = arith.constant 0 : index
    %get3A_112 = arith.constant 405 : index
    %get3A_113 = vector.load %arg3[%get3A_111, %get3A_112] : memref<88x2624xf32, #tpu.memory_space<vmem>>, vector<88x82xf32>
    %get3A_114 = arith.constant 0 : index
    %get3A_115 = arith.constant 902 : index
    %get3A_116 = vector.load %arg0[%get3A_114, %get3A_115] : memref<88x2624xf32, #tpu.memory_space<vmem>>, vector<88x82xf32>
    %add3A_117 = arith.addf %get3A_113, %get3A_116 : vector<88x82xf32>
    %swap3A_118 = arith.constant 0 : index
    %swap3A_119 = arith.constant 405 : index
    %swap3A_120 = vector.load %arg3[%swap3A_118, %swap3A_119] : memref<88x2624xf32, #tpu.memory_space<vmem>>, vector<88x82xf32>
    tpu.vector_store %arg3[%swap3A_118, %swap3A_119], %add3A_117 {strides = array<i32>} : memref<88x2624xf32, #tpu.memory_space<vmem>>, vector<88x82xf32>,
    %get3A_121 = arith.constant 0 : index
    %get3A_122 = arith.constant 486 : index
    %get3A_123 = vector.load %arg3[%get3A_121, %get3A_122] : memref<88x2624xf32, #tpu.memory_space<vmem>>, vector<88x82xf32>
    %get3A_124 = arith.constant 0 : index
    %get3A_125 = arith.constant 984 : index
    %get3A_126 = vector.load %arg0[%get3A_124, %get3A_125] : memref<88x2624xf32, #tpu.memory_space<vmem>>, vector<88x82xf32>
    %add3A_127 = arith.addf %get3A_123, %get3A_126 : vector<88x82xf32>
    %swap3A_128 = arith.constant 0 : index
    %swap3A_129 = arith.constant 486 : index
    %swap3A_130 = vector.load %arg3[%swap3A_128, %swap3A_129] : memref<88x2624xf32, #tpu.memory_space<vmem>>, vector<88x82xf32>
    tpu.vector_store %arg3[%swap3A_128, %swap3A_129], %add3A_127 {strides = array<i32>} : memref<88x2624xf32, #tpu.memory_space<vmem>>, vector<88x82xf32>,
    %get3A_131 = arith.constant 0 : index
    %get3A_132 = arith.constant 486 : index
    %get3A_133 = vector.load %arg3[%get3A_131, %get3A_132] : memref<88x2624xf32, #tpu.memory_space<vmem>>, vector<88x82xf32>
    %get3A_134 = arith.constant 0 : index
    %get3A_135 = arith.constant 1066 : index
    %get3A_136 = vector.load %arg0[%get3A_134, %get3A_135] : memref<88x2624xf32, #tpu.memory_space<vmem>>, vector<88x82xf32>
    %add3A_137 = arith.addf %get3A_133, %get3A_136 : vector<88x82xf32>
    %swap3A_138 = arith.constant 0 : index
    %swap3A_139 = arith.constant 486 : index
    %swap3A_140 = vector.load %arg3[%swap3A_138, %swap3A_139] : memref<88x2624xf32, #tpu.memory_space<vmem>>, vector<88x82xf32>
    tpu.vector_store %arg3[%swap3A_138, %swap3A_139], %add3A_137 {strides = array<i32>} : memref<88x2624xf32, #tpu.memory_space<vmem>>, vector<88x82xf32>,
    %get3A_141 = arith.constant 0 : index
    %get3A_142 = arith.constant 567 : index
    %get3A_143 = vector.load %arg3[%get3A_141, %get3A_142] : memref<88x2624xf32, #tpu.memory_space<vmem>>, vector<88x82xf32>
    %get3A_144 = arith.constant 0 : index
    %get3A_145 = arith.constant 1148 : index
    %get3A_146 = vector.load %arg0[%get3A_144, %get3A_145] : memref<88x2624xf32, #tpu.memory_space<vmem>>, vector<88x82xf32>
    %add3A_147 = arith.addf %get3A_143, %get3A_146 : vector<88x82xf32>
    %swap3A_148 = arith.constant 0 : index
    %swap3A_149 = arith.constant 567 : index
    %swap3A_150 = vector.load %arg3[%swap3A_148, %swap3A_149] : memref<88x2624xf32, #tpu.memory_space<vmem>>, vector<88x82xf32>
    tpu.vector_store %arg3[%swap3A_148, %swap3A_149], %add3A_147 {strides = array<i32>} : memref<88x2624xf32, #tpu.memory_space<vmem>>, vector<88x82xf32>,
    %get3A_151 = arith.constant 0 : index
    %get3A_152 = arith.constant 567 : index
    %get3A_153 = vector.load %arg3[%get3A_151, %get3A_152] : memref<88x2624xf32, #tpu.memory_space<vmem>>, vector<88x82xf32>
    %get3A_154 = arith.constant 0 : index
    %get3A_155 = arith.constant 1230 : index
    %get3A_156 = vector.load %arg0[%get3A_154, %get3A_155] : memref<88x2624xf32, #tpu.memory_space<vmem>>, vector<88x82xf32>
    %add3A_157 = arith.addf %get3A_153, %get3A_156 : vector<88x82xf32>
    %swap3A_158 = arith.constant 0 : index
    %swap3A_159 = arith.constant 567 : index
    %swap3A_160 = vector.load %arg3[%swap3A_158, %swap3A_159] : memref<88x2624xf32, #tpu.memory_space<vmem>>, vector<88x82xf32>
    tpu.vector_store %arg3[%swap3A_158, %swap3A_159], %add3A_157 {strides = array<i32>} : memref<88x2624xf32, #tpu.memory_space<vmem>>, vector<88x82xf32>,
    %get3A_161 = arith.constant 0 : index
    %get3A_162 = arith.constant 648 : index
    %get3A_163 = vector.load %arg3[%get3A_161, %get3A_162] : memref<88x2624xf32, #tpu.memory_space<vmem>>, vector<88x82xf32>
    %get3A_164 = arith.constant 0 : index
    %get3A_165 = arith.constant 1312 : index
    %get3A_166 = vector.load %arg0[%get3A_164, %get3A_165] : memref<88x2624xf32, #tpu.memory_space<vmem>>, vector<88x82xf32>
    %add3A_167 = arith.addf %get3A_163, %get3A_166 : vector<88x82xf32>
    %swap3A_168 = arith.constant 0 : index
    %swap3A_169 = arith.constant 648 : index
    %swap3A_170 = vector.load %arg3[%swap3A_168, %swap3A_169] : memref<88x2624xf32, #tpu.memory_space<vmem>>, vector<88x82xf32>
    tpu.vector_store %arg3[%swap3A_168, %swap3A_169], %add3A_167 {strides = array<i32>} : memref<88x2624xf32, #tpu.memory_space<vmem>>, vector<88x82xf32>,
    %get3A_171 = arith.constant 0 : index
    %get3A_172 = arith.constant 648 : index
    %get3A_173 = vector.load %arg3[%get3A_171, %get3A_172] : memref<88x2624xf32, #tpu.memory_space<vmem>>, vector<88x82xf32>
    %get3A_174 = arith.constant 0 : index
    %get3A_175 = arith.constant 1394 : index
    %get3A_176 = vector.load %arg0[%get3A_174, %get3A_175] : memref<88x2624xf32, #tpu.memory_space<vmem>>, vector<88x82xf32>
    %add3A_177 = arith.addf %get3A_173, %get3A_176 : vector<88x82xf32>
    %swap3A_178 = arith.constant 0 : index
    %swap3A_179 = arith.constant 648 : index
    %swap3A_180 = vector.load %arg3[%swap3A_178, %swap3A_179] : memref<88x2624xf32, #tpu.memory_space<vmem>>, vector<88x82xf32>
    tpu.vector_store %arg3[%swap3A_178, %swap3A_179], %add3A_177 {strides = array<i32>} : memref<88x2624xf32, #tpu.memory_space<vmem>>, vector<88x82xf32>,
    %get3A_181 = arith.constant 0 : index
    %get3A_182 = arith.constant 729 : index
    %get3A_183 = vector.load %arg3[%get3A_181, %get3A_182] : memref<88x2624xf32, #tpu.memory_space<vmem>>, vector<88x82xf32>
    %get3A_184 = arith.constant 0 : index
    %get3A_185 = arith.constant 1476 : index
    %get3A_186 = vector.load %arg0[%get3A_184, %get3A_185] : memref<88x2624xf32, #tpu.memory_space<vmem>>, vector<88x82xf32>
    %add3A_187 = arith.addf %get3A_183, %get3A_186 : vector<88x82xf32>
    %swap3A_188 = arith.constant 0 : index
    %swap3A_189 = arith.constant 729 : index
    %swap3A_190 = vector.load %arg3[%swap3A_188, %swap3A_189] : memref<88x2624xf32, #tpu.memory_space<vmem>>, vector<88x82xf32>
    tpu.vector_store %arg3[%swap3A_188, %swap3A_189], %add3A_187 {strides = array<i32>} : memref<88x2624xf32, #tpu.memory_space<vmem>>, vector<88x82xf32>,
    %get3A_191 = arith.constant 0 : index
    %get3A_192 = arith.constant 729 : index
    %get3A_193 = vector.load %arg3[%get3A_191, %get3A_192] : memref<88x2624xf32, #tpu.memory_space<vmem>>, vector<88x82xf32>
    %get3A_194 = arith.constant 0 : index
    %get3A_195 = arith.constant 1558 : index
    %get3A_196 = vector.load %arg0[%get3A_194, %get3A_195] : memref<88x2624xf32, #tpu.memory_space<vmem>>, vector<88x82xf32>
    %add3A_197 = arith.addf %get3A_193, %get3A_196 : vector<88x82xf32>
    %swap3A_198 = arith.constant 0 : index
    %swap3A_199 = arith.constant 729 : index
    %swap3A_200 = vector.load %arg3[%swap3A_198, %swap3A_199] : memref<88x2624xf32, #tpu.memory_space<vmem>>, vector<88x82xf32>
    tpu.vector_store %arg3[%swap3A_198, %swap3A_199], %add3A_197 {strides = array<i32>} : memref<88x2624xf32, #tpu.memory_space<vmem>>, vector<88x82xf32>,
    %get3A_201 = arith.constant 0 : index
    %get3A_202 = arith.constant 810 : index
    %get3A_203 = vector.load %arg3[%get3A_201, %get3A_202] : memref<88x2624xf32, #tpu.memory_space<vmem>>, vector<88x82xf32>
    %get3A_204 = arith.constant 0 : index
    %get3A_205 = arith.constant 1640 : index
    %get3A_206 = vector.load %arg0[%get3A_204, %get3A_205] : memref<88x2624xf32, #tpu.memory_space<vmem>>, vector<88x82xf32>
    %add3A_207 = arith.addf %get3A_203, %get3A_206 : vector<88x82xf32>
    %swap3A_208 = arith.constant 0 : index
    %swap3A_209 = arith.constant 810 : index
    %swap3A_210 = vector.load %arg3[%swap3A_208, %swap3A_209] : memref<88x2624xf32, #tpu.memory_space<vmem>>, vector<88x82xf32>
    tpu.vector_store %arg3[%swap3A_208, %swap3A_209], %add3A_207 {strides = array<i32>} : memref<88x2624xf32, #tpu.memory_space<vmem>>, vector<88x82xf32>,
    %get3A_211 = arith.constant 0 : index
    %get3A_212 = arith.constant 810 : index
    %get3A_213 = vector.load %arg3[%get3A_211, %get3A_212] : memref<88x2624xf32, #tpu.memory_space<vmem>>, vector<88x82xf32>
    %get3A_214 = arith.constant 0 : index
    %get3A_215 = arith.constant 1722 : index
    %get3A_216 = vector.load %arg0[%get3A_214, %get3A_215] : memref<88x2624xf32, #tpu.memory_space<vmem>>, vector<88x82xf32>
    %add3A_217 = arith.addf %get3A_213, %get3A_216 : vector<88x82xf32>
    %swap3A_218 = arith.constant 0 : index
    %swap3A_219 = arith.constant 810 : index
    %swap3A_220 = vector.load %arg3[%swap3A_218, %swap3A_219] : memref<88x2624xf32, #tpu.memory_space<vmem>>, vector<88x82xf32>
    tpu.vector_store %arg3[%swap3A_218, %swap3A_219], %add3A_217 {strides = array<i32>} : memref<88x2624xf32, #tpu.memory_space<vmem>>, vector<88x82xf32>,
    %get3A_221 = arith.constant 0 : index
    %get3A_222 = arith.constant 891 : index
    %get3A_223 = vector.load %arg3[%get3A_221, %get3A_222] : memref<88x2624xf32, #tpu.memory_space<vmem>>, vector<88x82xf32>
    %get3A_224 = arith.constant 0 : index
    %get3A_225 = arith.constant 1804 : index
    %get3A_226 = vector.load %arg0[%get3A_224, %get3A_225] : memref<88x2624xf32, #tpu.memory_space<vmem>>, vector<88x82xf32>
    %add3A_227 = arith.addf %get3A_223, %get3A_226 : vector<88x82xf32>
    %swap3A_228 = arith.constant 0 : index
    %swap3A_229 = arith.constant 891 : index
    %swap3A_230 = vector.load %arg3[%swap3A_228, %swap3A_229] : memref<88x2624xf32, #tpu.memory_space<vmem>>, vector<88x82xf32>
    tpu.vector_store %arg3[%swap3A_228, %swap3A_229], %add3A_227 {strides = array<i32>} : memref<88x2624xf32, #tpu.memory_space<vmem>>, vector<88x82xf32>,
    %get3A_231 = arith.constant 0 : index
    %get3A_232 = arith.constant 891 : index
    %get3A_233 = vector.load %arg3[%get3A_231, %get3A_232] : memref<88x2624xf32, #tpu.memory_space<vmem>>, vector<88x82xf32>
    %get3A_234 = arith.constant 0 : index
    %get3A_235 = arith.constant 1886 : index
    %get3A_236 = vector.load %arg0[%get3A_234, %get3A_235] : memref<88x2624xf32, #tpu.memory_space<vmem>>, vector<88x82xf32>
    %add3A_237 = arith.addf %get3A_233, %get3A_236 : vector<88x82xf32>
    %swap3A_238 = arith.constant 0 : index
    %swap3A_239 = arith.constant 891 : index
    %swap3A_240 = vector.load %arg3[%swap3A_238, %swap3A_239] : memref<88x2624xf32, #tpu.memory_space<vmem>>, vector<88x82xf32>
    tpu.vector_store %arg3[%swap3A_238, %swap3A_239], %add3A_237 {strides = array<i32>} : memref<88x2624xf32, #tpu.memory_space<vmem>>, vector<88x82xf32>,
    %get3A_241 = arith.constant 0 : index
    %get3A_242 = arith.constant 972 : index
    %get3A_243 = vector.load %arg3[%get3A_241, %get3A_242] : memref<88x2624xf32, #tpu.memory_space<vmem>>, vector<88x82xf32>
    %get3A_244 = arith.constant 0 : index
    %get3A_245 = arith.constant 1968 : index
    %get3A_246 = vector.load %arg0[%get3A_244, %get3A_245] : memref<88x2624xf32, #tpu.memory_space<vmem>>, vector<88x82xf32>
    %add3A_247 = arith.addf %get3A_243, %get3A_246 : vector<88x82xf32>
    %swap3A_248 = arith.constant 0 : index
    %swap3A_249 = arith.constant 972 : index
    %swap3A_250 = vector.load %arg3[%swap3A_248, %swap3A_249] : memref<88x2624xf32, #tpu.memory_space<vmem>>, vector<88x82xf32>
    tpu.vector_store %arg3[%swap3A_248, %swap3A_249], %add3A_247 {strides = array<i32>} : memref<88x2624xf32, #tpu.memory_space<vmem>>, vector<88x82xf32>,
    %get3A_251 = arith.constant 0 : index
    %get3A_252 = arith.constant 972 : index
    %get3A_253 = vector.load %arg3[%get3A_251, %get3A_252] : memref<88x2624xf32, #tpu.memory_space<vmem>>, vector<88x82xf32>
    %get3A_254 = arith.constant 0 : index
    %get3A_255 = arith.constant 2050 : index
    %get3A_256 = vector.load %arg0[%get3A_254, %get3A_255] : memref<88x2624xf32, #tpu.memory_space<vmem>>, vector<88x82xf32>
    %add3A_257 = arith.addf %get3A_253, %get3A_256 : vector<88x82xf32>
    %swap3A_258 = arith.constant 0 : index
    %swap3A_259 = arith.constant 972 : index
    %swap3A_260 = vector.load %arg3[%swap3A_258, %swap3A_259] : memref<88x2624xf32, #tpu.memory_space<vmem>>, vector<88x82xf32>
    tpu.vector_store %arg3[%swap3A_258, %swap3A_259], %add3A_257 {strides = array<i32>} : memref<88x2624xf32, #tpu.memory_space<vmem>>, vector<88x82xf32>,
    %get3A_261 = arith.constant 0 : index
    %get3A_262 = arith.constant 1053 : index
    %get3A_263 = vector.load %arg3[%get3A_261, %get3A_262] : memref<88x2624xf32, #tpu.memory_space<vmem>>, vector<88x82xf32>
    %get3A_264 = arith.constant 0 : index
    %get3A_265 = arith.constant 2132 : index
    %get3A_266 = vector.load %arg0[%get3A_264, %get3A_265] : memref<88x2624xf32, #tpu.memory_space<vmem>>, vector<88x82xf32>
    %add3A_267 = arith.addf %get3A_263, %get3A_266 : vector<88x82xf32>
    %swap3A_268 = arith.constant 0 : index
    %swap3A_269 = arith.constant 1053 : index
    %swap3A_270 = vector.load %arg3[%swap3A_268, %swap3A_269] : memref<88x2624xf32, #tpu.memory_space<vmem>>, vector<88x82xf32>
    tpu.vector_store %arg3[%swap3A_268, %swap3A_269], %add3A_267 {strides = array<i32>} : memref<88x2624xf32, #tpu.memory_space<vmem>>, vector<88x82xf32>,
    %get3A_271 = arith.constant 0 : index
    %get3A_272 = arith.constant 1053 : index
    %get3A_273 = vector.load %arg3[%get3A_271, %get3A_272] : memref<88x2624xf32, #tpu.memory_space<vmem>>, vector<88x82xf32>
    %get3A_274 = arith.constant 0 : index
    %get3A_275 = arith.constant 2214 : index
    %get3A_276 = vector.load %arg0[%get3A_274, %get3A_275] : memref<88x2624xf32, #tpu.memory_space<vmem>>, vector<88x82xf32>
    %add3A_277 = arith.addf %get3A_273, %get3A_276 : vector<88x82xf32>
    %swap3A_278 = arith.constant 0 : index
    %swap3A_279 = arith.constant 1053 : index
    %swap3A_280 = vector.load %arg3[%swap3A_278, %swap3A_279] : memref<88x2624xf32, #tpu.memory_space<vmem>>, vector<88x82xf32>
    tpu.vector_store %arg3[%swap3A_278, %swap3A_279], %add3A_277 {strides = array<i32>} : memref<88x2624xf32, #tpu.memory_space<vmem>>, vector<88x82xf32>,
    %get3A_281 = arith.constant 0 : index
    %get3A_282 = arith.constant 1134 : index
    %get3A_283 = vector.load %arg3[%get3A_281, %get3A_282] : memref<88x2624xf32, #tpu.memory_space<vmem>>, vector<88x82xf32>
    %get3A_284 = arith.constant 0 : index
    %get3A_285 = arith.constant 2296 : index
    %get3A_286 = vector.load %arg0[%get3A_284, %get3A_285] : memref<88x2624xf32, #tpu.memory_space<vmem>>, vector<88x82xf32>
    %add3A_287 = arith.addf %get3A_283, %get3A_286 : vector<88x82xf32>
    %swap3A_288 = arith.constant 0 : index
    %swap3A_289 = arith.constant 1134 : index
    %swap3A_290 = vector.load %arg3[%swap3A_288, %swap3A_289] : memref<88x2624xf32, #tpu.memory_space<vmem>>, vector<88x82xf32>
    tpu.vector_store %arg3[%swap3A_288, %swap3A_289], %add3A_287 {strides = array<i32>} : memref<88x2624xf32, #tpu.memory_space<vmem>>, vector<88x82xf32>,
    %get3A_291 = arith.constant 0 : index
    %get3A_292 = arith.constant 1134 : index
    %get3A_293 = vector.load %arg3[%get3A_291, %get3A_292] : memref<88x2624xf32, #tpu.memory_space<vmem>>, vector<88x82xf32>
    %get3A_294 = arith.constant 0 : index
    %get3A_295 = arith.constant 2378 : index
    %get3A_296 = vector.load %arg0[%get3A_294, %get3A_295] : memref<88x2624xf32, #tpu.memory_space<vmem>>, vector<88x82xf32>
    %add3A_297 = arith.addf %get3A_293, %get3A_296 : vector<88x82xf32>
    %swap3A_298 = arith.constant 0 : index
    %swap3A_299 = arith.constant 1134 : index
    %swap3A_300 = vector.load %arg3[%swap3A_298, %swap3A_299] : memref<88x2624xf32, #tpu.memory_space<vmem>>, vector<88x82xf32>
    tpu.vector_store %arg3[%swap3A_298, %swap3A_299], %add3A_297 {strides = array<i32>} : memref<88x2624xf32, #tpu.memory_space<vmem>>, vector<88x82xf32>,
    %get3A_301 = arith.constant 0 : index
    %get3A_302 = arith.constant 1215 : index
    %get3A_303 = vector.load %arg3[%get3A_301, %get3A_302] : memref<88x2624xf32, #tpu.memory_space<vmem>>, vector<88x82xf32>
    %get3A_304 = arith.constant 0 : index
    %get3A_305 = arith.constant 2460 : index
    %get3A_306 = vector.load %arg0[%get3A_304, %get3A_305] : memref<88x2624xf32, #tpu.memory_space<vmem>>, vector<88x82xf32>
    %add3A_307 = arith.addf %get3A_303, %get3A_306 : vector<88x82xf32>
    %swap3A_308 = arith.constant 0 : index
    %swap3A_309 = arith.constant 1215 : index
    %swap3A_310 = vector.load %arg3[%swap3A_308, %swap3A_309] : memref<88x2624xf32, #tpu.memory_space<vmem>>, vector<88x82xf32>
    tpu.vector_store %arg3[%swap3A_308, %swap3A_309], %add3A_307 {strides = array<i32>} : memref<88x2624xf32, #tpu.memory_space<vmem>>, vector<88x82xf32>,
    %get3A_311 = arith.constant 0 : index
    %get3A_312 = arith.constant 1215 : index
    %get3A_313 = vector.load %arg3[%get3A_311, %get3A_312] : memref<88x2624xf32, #tpu.memory_space<vmem>>, vector<88x82xf32>
    %get3A_314 = arith.constant 0 : index
    %get3A_315 = arith.constant 2542 : index
    %get3A_316 = vector.load %arg0[%get3A_314, %get3A_315] : memref<88x2624xf32, #tpu.memory_space<vmem>>, vector<88x82xf32>
    %add3A_317 = arith.addf %get3A_313, %get3A_316 : vector<88x82xf32>
    %swap3A_318 = arith.constant 0 : index
    %swap3A_319 = arith.constant 1215 : index
    %swap3A_320 = vector.load %arg3[%swap3A_318, %swap3A_319] : memref<88x2624xf32, #tpu.memory_space<vmem>>, vector<88x82xf32>
    tpu.vector_store %arg3[%swap3A_318, %swap3A_319], %add3A_317 {strides = array<i32>} : memref<88x2624xf32, #tpu.memory_space<vmem>>, vector<88x82xf32>,
    %get3A_321 = arith.constant 0 : index
    %get3A_322 = arith.constant 1296 : index
    %get3A_323 = vector.load %arg3[%get3A_321, %get3A_322] : memref<88x2624xf32, #tpu.memory_space<vmem>>, vector<88x82xf32>
    %get3A_324 = arith.constant 0 : index
    %get3A_325 = arith.constant 0 : index
    %get3A_326 = vector.load %arg1[%get3A_324, %get3A_325] : memref<88x2624xf32, #tpu.memory_space<vmem>>, vector<88x82xf32>
    %add3A_327 = arith.addf %get3A_323, %get3A_326 : vector<88x82xf32>
    %swap3A_328 = arith.constant 0 : index
    %swap3A_329 = arith.constant 1296 : index
    %swap3A_330 = vector.load %arg3[%swap3A_328, %swap3A_329] : memref<88x2624xf32, #tpu.memory_space<vmem>>, vector<88x82xf32>
    tpu.vector_store %arg3[%swap3A_328, %swap3A_329], %add3A_327 {strides = array<i32>} : memref<88x2624xf32, #tpu.memory_space<vmem>>, vector<88x82xf32>,
    %get3A_331 = arith.constant 0 : index
    %get3A_332 = arith.constant 1296 : index
    %get3A_333 = vector.load %arg3[%get3A_331, %get3A_332] : memref<88x2624xf32, #tpu.memory_space<vmem>>, vector<88x82xf32>
    %get3A_334 = arith.constant 0 : index
    %get3A_335 = arith.constant 82 : index
    %get3A_336 = vector.load %arg1[%get3A_334, %get3A_335] : memref<88x2624xf32, #tpu.memory_space<vmem>>, vector<88x82xf32>
    %add3A_337 = arith.addf %get3A_333, %get3A_336 : vector<88x82xf32>
    %swap3A_338 = arith.constant 0 : index
    %swap3A_339 = arith.constant 1296 : index
    %swap3A_340 = vector.load %arg3[%swap3A_338, %swap3A_339] : memref<88x2624xf32, #tpu.memory_space<vmem>>, vector<88x82xf32>
    tpu.vector_store %arg3[%swap3A_338, %swap3A_339], %add3A_337 {strides = array<i32>} : memref<88x2624xf32, #tpu.memory_space<vmem>>, vector<88x82xf32>,
    %get3A_341 = arith.constant 0 : index
    %get3A_342 = arith.constant 1377 : index
    %get3A_343 = vector.load %arg3[%get3A_341, %get3A_342] : memref<88x2624xf32, #tpu.memory_space<vmem>>, vector<88x82xf32>
    %get3A_344 = arith.constant 0 : index
    %get3A_345 = arith.constant 164 : index
    %get3A_346 = vector.load %arg1[%get3A_344, %get3A_345] : memref<88x2624xf32, #tpu.memory_space<vmem>>, vector<88x82xf32>
    %add3A_347 = arith.addf %get3A_343, %get3A_346 : vector<88x82xf32>
    %swap3A_348 = arith.constant 0 : index
    %swap3A_349 = arith.constant 1377 : index
    %swap3A_350 = vector.load %arg3[%swap3A_348, %swap3A_349] : memref<88x2624xf32, #tpu.memory_space<vmem>>, vector<88x82xf32>
    tpu.vector_store %arg3[%swap3A_348, %swap3A_349], %add3A_347 {strides = array<i32>} : memref<88x2624xf32, #tpu.memory_space<vmem>>, vector<88x82xf32>,
    %get3A_351 = arith.constant 0 : index
    %get3A_352 = arith.constant 1377 : index
    %get3A_353 = vector.load %arg3[%get3A_351, %get3A_352] : memref<88x2624xf32, #tpu.memory_space<vmem>>, vector<88x82xf32>
    %get3A_354 = arith.constant 0 : index
    %get3A_355 = arith.constant 246 : index
    %get3A_356 = vector.load %arg1[%get3A_354, %get3A_355] : memref<88x2624xf32, #tpu.memory_space<vmem>>, vector<88x82xf32>
    %add3A_357 = arith.addf %get3A_353, %get3A_356 : vector<88x82xf32>
    %swap3A_358 = arith.constant 0 : index
    %swap3A_359 = arith.constant 1377 : index
    %swap3A_360 = vector.load %arg3[%swap3A_358, %swap3A_359] : memref<88x2624xf32, #tpu.memory_space<vmem>>, vector<88x82xf32>
    tpu.vector_store %arg3[%swap3A_358, %swap3A_359], %add3A_357 {strides = array<i32>} : memref<88x2624xf32, #tpu.memory_space<vmem>>, vector<88x82xf32>,
    %get3A_361 = arith.constant 0 : index
    %get3A_362 = arith.constant 1458 : index
    %get3A_363 = vector.load %arg3[%get3A_361, %get3A_362] : memref<88x2624xf32, #tpu.memory_space<vmem>>, vector<88x82xf32>
    %get3A_364 = arith.constant 0 : index
    %get3A_365 = arith.constant 328 : index
    %get3A_366 = vector.load %arg1[%get3A_364, %get3A_365] : memref<88x2624xf32, #tpu.memory_space<vmem>>, vector<88x82xf32>
    %add3A_367 = arith.addf %get3A_363, %get3A_366 : vector<88x82xf32>
    %swap3A_368 = arith.constant 0 : index
    %swap3A_369 = arith.constant 1458 : index
    %swap3A_370 = vector.load %arg3[%swap3A_368, %swap3A_369] : memref<88x2624xf32, #tpu.memory_space<vmem>>, vector<88x82xf32>
    tpu.vector_store %arg3[%swap3A_368, %swap3A_369], %add3A_367 {strides = array<i32>} : memref<88x2624xf32, #tpu.memory_space<vmem>>, vector<88x82xf32>,
    %get3A_371 = arith.constant 0 : index
    %get3A_372 = arith.constant 1458 : index
    %get3A_373 = vector.load %arg3[%get3A_371, %get3A_372] : memref<88x2624xf32, #tpu.memory_space<vmem>>, vector<88x82xf32>
    %get3A_374 = arith.constant 0 : index
    %get3A_375 = arith.constant 410 : index
    %get3A_376 = vector.load %arg1[%get3A_374, %get3A_375] : memref<88x2624xf32, #tpu.memory_space<vmem>>, vector<88x82xf32>
    %add3A_377 = arith.addf %get3A_373, %get3A_376 : vector<88x82xf32>
    %swap3A_378 = arith.constant 0 : index
    %swap3A_379 = arith.constant 1458 : index
    %swap3A_380 = vector.load %arg3[%swap3A_378, %swap3A_379] : memref<88x2624xf32, #tpu.memory_space<vmem>>, vector<88x82xf32>
    tpu.vector_store %arg3[%swap3A_378, %swap3A_379], %add3A_377 {strides = array<i32>} : memref<88x2624xf32, #tpu.memory_space<vmem>>, vector<88x82xf32>,
    %get3A_381 = arith.constant 0 : index
    %get3A_382 = arith.constant 1539 : index
    %get3A_383 = vector.load %arg3[%get3A_381, %get3A_382] : memref<88x2624xf32, #tpu.memory_space<vmem>>, vector<88x82xf32>
    %get3A_384 = arith.constant 0 : index
    %get3A_385 = arith.constant 492 : index
    %get3A_386 = vector.load %arg1[%get3A_384, %get3A_385] : memref<88x2624xf32, #tpu.memory_space<vmem>>, vector<88x82xf32>
    %add3A_387 = arith.addf %get3A_383, %get3A_386 : vector<88x82xf32>
    %swap3A_388 = arith.constant 0 : index
    %swap3A_389 = arith.constant 1539 : index
    %swap3A_390 = vector.load %arg3[%swap3A_388, %swap3A_389] : memref<88x2624xf32, #tpu.memory_space<vmem>>, vector<88x82xf32>
    tpu.vector_store %arg3[%swap3A_388, %swap3A_389], %add3A_387 {strides = array<i32>} : memref<88x2624xf32, #tpu.memory_space<vmem>>, vector<88x82xf32>,
    %get3A_391 = arith.constant 0 : index
    %get3A_392 = arith.constant 1539 : index
    %get3A_393 = vector.load %arg3[%get3A_391, %get3A_392] : memref<88x2624xf32, #tpu.memory_space<vmem>>, vector<88x82xf32>
    %get3A_394 = arith.constant 0 : index
    %get3A_395 = arith.constant 574 : index
    %get3A_396 = vector.load %arg1[%get3A_394, %get3A_395] : memref<88x2624xf32, #tpu.memory_space<vmem>>, vector<88x82xf32>
    %add3A_397 = arith.addf %get3A_393, %get3A_396 : vector<88x82xf32>
    %swap3A_398 = arith.constant 0 : index
    %swap3A_399 = arith.constant 1539 : index
    %swap3A_400 = vector.load %arg3[%swap3A_398, %swap3A_399] : memref<88x2624xf32, #tpu.memory_space<vmem>>, vector<88x82xf32>
    tpu.vector_store %arg3[%swap3A_398, %swap3A_399], %add3A_397 {strides = array<i32>} : memref<88x2624xf32, #tpu.memory_space<vmem>>, vector<88x82xf32>,
    %get3A_401 = arith.constant 0 : index
    %get3A_402 = arith.constant 1620 : index
    %get3A_403 = vector.load %arg3[%get3A_401, %get3A_402] : memref<88x2624xf32, #tpu.memory_space<vmem>>, vector<88x82xf32>
    %get3A_404 = arith.constant 0 : index
    %get3A_405 = arith.constant 656 : index
    %get3A_406 = vector.load %arg1[%get3A_404, %get3A_405] : memref<88x2624xf32, #tpu.memory_space<vmem>>, vector<88x82xf32>
    %add3A_407 = arith.addf %get3A_403, %get3A_406 : vector<88x82xf32>
    %swap3A_408 = arith.constant 0 : index
    %swap3A_409 = arith.constant 1620 : index
    %swap3A_410 = vector.load %arg3[%swap3A_408, %swap3A_409] : memref<88x2624xf32, #tpu.memory_space<vmem>>, vector<88x82xf32>
    tpu.vector_store %arg3[%swap3A_408, %swap3A_409], %add3A_407 {strides = array<i32>} : memref<88x2624xf32, #tpu.memory_space<vmem>>, vector<88x82xf32>,
    %get3A_411 = arith.constant 0 : index
    %get3A_412 = arith.constant 1620 : index
    %get3A_413 = vector.load %arg3[%get3A_411, %get3A_412] : memref<88x2624xf32, #tpu.memory_space<vmem>>, vector<88x82xf32>
    %get3A_414 = arith.constant 0 : index
    %get3A_415 = arith.constant 738 : index
    %get3A_416 = vector.load %arg1[%get3A_414, %get3A_415] : memref<88x2624xf32, #tpu.memory_space<vmem>>, vector<88x82xf32>
    %add3A_417 = arith.addf %get3A_413, %get3A_416 : vector<88x82xf32>
    %swap3A_418 = arith.constant 0 : index
    %swap3A_419 = arith.constant 1620 : index
    %swap3A_420 = vector.load %arg3[%swap3A_418, %swap3A_419] : memref<88x2624xf32, #tpu.memory_space<vmem>>, vector<88x82xf32>
    tpu.vector_store %arg3[%swap3A_418, %swap3A_419], %add3A_417 {strides = array<i32>} : memref<88x2624xf32, #tpu.memory_space<vmem>>, vector<88x82xf32>,
    %get3A_421 = arith.constant 0 : index
    %get3A_422 = arith.constant 1701 : index
    %get3A_423 = vector.load %arg3[%get3A_421, %get3A_422] : memref<88x2624xf32, #tpu.memory_space<vmem>>, vector<88x82xf32>
    %get3A_424 = arith.constant 0 : index
    %get3A_425 = arith.constant 820 : index
    %get3A_426 = vector.load %arg1[%get3A_424, %get3A_425] : memref<88x2624xf32, #tpu.memory_space<vmem>>, vector<88x82xf32>
    %add3A_427 = arith.addf %get3A_423, %get3A_426 : vector<88x82xf32>
    %swap3A_428 = arith.constant 0 : index
    %swap3A_429 = arith.constant 1701 : index
    %swap3A_430 = vector.load %arg3[%swap3A_428, %swap3A_429] : memref<88x2624xf32, #tpu.memory_space<vmem>>, vector<88x82xf32>
    tpu.vector_store %arg3[%swap3A_428, %swap3A_429], %add3A_427 {strides = array<i32>} : memref<88x2624xf32, #tpu.memory_space<vmem>>, vector<88x82xf32>,
    %get3A_431 = arith.constant 0 : index
    %get3A_432 = arith.constant 1701 : index
    %get3A_433 = vector.load %arg3[%get3A_431, %get3A_432] : memref<88x2624xf32, #tpu.memory_space<vmem>>, vector<88x82xf32>
    %get3A_434 = arith.constant 0 : index
    %get3A_435 = arith.constant 902 : index
    %get3A_436 = vector.load %arg1[%get3A_434, %get3A_435] : memref<88x2624xf32, #tpu.memory_space<vmem>>, vector<88x82xf32>
    %add3A_437 = arith.addf %get3A_433, %get3A_436 : vector<88x82xf32>
    %swap3A_438 = arith.constant 0 : index
    %swap3A_439 = arith.constant 1701 : index
    %swap3A_440 = vector.load %arg3[%swap3A_438, %swap3A_439] : memref<88x2624xf32, #tpu.memory_space<vmem>>, vector<88x82xf32>
    tpu.vector_store %arg3[%swap3A_438, %swap3A_439], %add3A_437 {strides = array<i32>} : memref<88x2624xf32, #tpu.memory_space<vmem>>, vector<88x82xf32>,
    %get3A_441 = arith.constant 0 : index
    %get3A_442 = arith.constant 1782 : index
    %get3A_443 = vector.load %arg3[%get3A_441, %get3A_442] : memref<88x2624xf32, #tpu.memory_space<vmem>>, vector<88x82xf32>
    %get3A_444 = arith.constant 0 : index
    %get3A_445 = arith.constant 984 : index
    %get3A_446 = vector.load %arg1[%get3A_444, %get3A_445] : memref<88x2624xf32, #tpu.memory_space<vmem>>, vector<88x82xf32>
    %add3A_447 = arith.addf %get3A_443, %get3A_446 : vector<88x82xf32>
    %swap3A_448 = arith.constant 0 : index
    %swap3A_449 = arith.constant 1782 : index
    %swap3A_450 = vector.load %arg3[%swap3A_448, %swap3A_449] : memref<88x2624xf32, #tpu.memory_space<vmem>>, vector<88x82xf32>
    tpu.vector_store %arg3[%swap3A_448, %swap3A_449], %add3A_447 {strides = array<i32>} : memref<88x2624xf32, #tpu.memory_space<vmem>>, vector<88x82xf32>,
    %get3A_451 = arith.constant 0 : index
    %get3A_452 = arith.constant 1782 : index
    %get3A_453 = vector.load %arg3[%get3A_451, %get3A_452] : memref<88x2624xf32, #tpu.memory_space<vmem>>, vector<88x82xf32>
    %get3A_454 = arith.constant 0 : index
    %get3A_455 = arith.constant 1066 : index
    %get3A_456 = vector.load %arg1[%get3A_454, %get3A_455] : memref<88x2624xf32, #tpu.memory_space<vmem>>, vector<88x82xf32>
    %add3A_457 = arith.addf %get3A_453, %get3A_456 : vector<88x82xf32>
    %swap3A_458 = arith.constant 0 : index
    %swap3A_459 = arith.constant 1782 : index
    %swap3A_460 = vector.load %arg3[%swap3A_458, %swap3A_459] : memref<88x2624xf32, #tpu.memory_space<vmem>>, vector<88x82xf32>
    tpu.vector_store %arg3[%swap3A_458, %swap3A_459], %add3A_457 {strides = array<i32>} : memref<88x2624xf32, #tpu.memory_space<vmem>>, vector<88x82xf32>,
    %get3A_461 = arith.constant 0 : index
    %get3A_462 = arith.constant 1863 : index
    %get3A_463 = vector.load %arg3[%get3A_461, %get3A_462] : memref<88x2624xf32, #tpu.memory_space<vmem>>, vector<88x82xf32>
    %get3A_464 = arith.constant 0 : index
    %get3A_465 = arith.constant 1148 : index
    %get3A_466 = vector.load %arg1[%get3A_464, %get3A_465] : memref<88x2624xf32, #tpu.memory_space<vmem>>, vector<88x82xf32>
    %add3A_467 = arith.addf %get3A_463, %get3A_466 : vector<88x82xf32>
    %swap3A_468 = arith.constant 0 : index
    %swap3A_469 = arith.constant 1863 : index
    %swap3A_470 = vector.load %arg3[%swap3A_468, %swap3A_469] : memref<88x2624xf32, #tpu.memory_space<vmem>>, vector<88x82xf32>
    tpu.vector_store %arg3[%swap3A_468, %swap3A_469], %add3A_467 {strides = array<i32>} : memref<88x2624xf32, #tpu.memory_space<vmem>>, vector<88x82xf32>,
    %get3A_471 = arith.constant 0 : index
    %get3A_472 = arith.constant 1863 : index
    %get3A_473 = vector.load %arg3[%get3A_471, %get3A_472] : memref<88x2624xf32, #tpu.memory_space<vmem>>, vector<88x82xf32>
    %get3A_474 = arith.constant 0 : index
    %get3A_475 = arith.constant 1230 : index
    %get3A_476 = vector.load %arg1[%get3A_474, %get3A_475] : memref<88x2624xf32, #tpu.memory_space<vmem>>, vector<88x82xf32>
    %add3A_477 = arith.addf %get3A_473, %get3A_476 : vector<88x82xf32>
    %swap3A_478 = arith.constant 0 : index
    %swap3A_479 = arith.constant 1863 : index
    %swap3A_480 = vector.load %arg3[%swap3A_478, %swap3A_479] : memref<88x2624xf32, #tpu.memory_space<vmem>>, vector<88x82xf32>
    tpu.vector_store %arg3[%swap3A_478, %swap3A_479], %add3A_477 {strides = array<i32>} : memref<88x2624xf32, #tpu.memory_space<vmem>>, vector<88x82xf32>,
    %get3A_481 = arith.constant 0 : index
    %get3A_482 = arith.constant 1944 : index
    %get3A_483 = vector.load %arg3[%get3A_481, %get3A_482] : memref<88x2624xf32, #tpu.memory_space<vmem>>, vector<88x82xf32>
    %get3A_484 = arith.constant 0 : index
    %get3A_485 = arith.constant 1312 : index
    %get3A_486 = vector.load %arg1[%get3A_484, %get3A_485] : memref<88x2624xf32, #tpu.memory_space<vmem>>, vector<88x82xf32>
    %add3A_487 = arith.addf %get3A_483, %get3A_486 : vector<88x82xf32>
    %swap3A_488 = arith.constant 0 : index
    %swap3A_489 = arith.constant 1944 : index
    %swap3A_490 = vector.load %arg3[%swap3A_488, %swap3A_489] : memref<88x2624xf32, #tpu.memory_space<vmem>>, vector<88x82xf32>
    tpu.vector_store %arg3[%swap3A_488, %swap3A_489], %add3A_487 {strides = array<i32>} : memref<88x2624xf32, #tpu.memory_space<vmem>>, vector<88x82xf32>,
    %get3A_491 = arith.constant 0 : index
    %get3A_492 = arith.constant 1944 : index
    %get3A_493 = vector.load %arg3[%get3A_491, %get3A_492] : memref<88x2624xf32, #tpu.memory_space<vmem>>, vector<88x82xf32>
    %get3A_494 = arith.constant 0 : index
    %get3A_495 = arith.constant 1394 : index
    %get3A_496 = vector.load %arg1[%get3A_494, %get3A_495] : memref<88x2624xf32, #tpu.memory_space<vmem>>, vector<88x82xf32>
    %add3A_497 = arith.addf %get3A_493, %get3A_496 : vector<88x82xf32>
    %swap3A_498 = arith.constant 0 : index
    %swap3A_499 = arith.constant 1944 : index
    %swap3A_500 = vector.load %arg3[%swap3A_498, %swap3A_499] : memref<88x2624xf32, #tpu.memory_space<vmem>>, vector<88x82xf32>
    tpu.vector_store %arg3[%swap3A_498, %swap3A_499], %add3A_497 {strides = array<i32>} : memref<88x2624xf32, #tpu.memory_space<vmem>>, vector<88x82xf32>,
    %get3A_501 = arith.constant 0 : index
    %get3A_502 = arith.constant 2025 : index
    %get3A_503 = vector.load %arg3[%get3A_501, %get3A_502] : memref<88x2624xf32, #tpu.memory_space<vmem>>, vector<88x82xf32>
    %get3A_504 = arith.constant 0 : index
    %get3A_505 = arith.constant 1476 : index
    %get3A_506 = vector.load %arg1[%get3A_504, %get3A_505] : memref<88x2624xf32, #tpu.memory_space<vmem>>, vector<88x82xf32>
    %add3A_507 = arith.addf %get3A_503, %get3A_506 : vector<88x82xf32>
    %swap3A_508 = arith.constant 0 : index
    %swap3A_509 = arith.constant 2025 : index
    %swap3A_510 = vector.load %arg3[%swap3A_508, %swap3A_509] : memref<88x2624xf32, #tpu.memory_space<vmem>>, vector<88x82xf32>
    tpu.vector_store %arg3[%swap3A_508, %swap3A_509], %add3A_507 {strides = array<i32>} : memref<88x2624xf32, #tpu.memory_space<vmem>>, vector<88x82xf32>,
    %get3A_511 = arith.constant 0 : index
    %get3A_512 = arith.constant 2025 : index
    %get3A_513 = vector.load %arg3[%get3A_511, %get3A_512] : memref<88x2624xf32, #tpu.memory_space<vmem>>, vector<88x82xf32>
    %get3A_514 = arith.constant 0 : index
    %get3A_515 = arith.constant 1558 : index
    %get3A_516 = vector.load %arg1[%get3A_514, %get3A_515] : memref<88x2624xf32, #tpu.memory_space<vmem>>, vector<88x82xf32>
    %add3A_517 = arith.addf %get3A_513, %get3A_516 : vector<88x82xf32>
    %swap3A_518 = arith.constant 0 : index
    %swap3A_519 = arith.constant 2025 : index
    %swap3A_520 = vector.load %arg3[%swap3A_518, %swap3A_519] : memref<88x2624xf32, #tpu.memory_space<vmem>>, vector<88x82xf32>
    tpu.vector_store %arg3[%swap3A_518, %swap3A_519], %add3A_517 {strides = array<i32>} : memref<88x2624xf32, #tpu.memory_space<vmem>>, vector<88x82xf32>,
    %get3A_521 = arith.constant 0 : index
    %get3A_522 = arith.constant 2106 : index
    %get3A_523 = vector.load %arg3[%get3A_521, %get3A_522] : memref<88x2624xf32, #tpu.memory_space<vmem>>, vector<88x82xf32>
    %get3A_524 = arith.constant 0 : index
    %get3A_525 = arith.constant 1640 : index
    %get3A_526 = vector.load %arg1[%get3A_524, %get3A_525] : memref<88x2624xf32, #tpu.memory_space<vmem>>, vector<88x82xf32>
    %add3A_527 = arith.addf %get3A_523, %get3A_526 : vector<88x82xf32>
    %swap3A_528 = arith.constant 0 : index
    %swap3A_529 = arith.constant 2106 : index
    %swap3A_530 = vector.load %arg3[%swap3A_528, %swap3A_529] : memref<88x2624xf32, #tpu.memory_space<vmem>>, vector<88x82xf32>
    tpu.vector_store %arg3[%swap3A_528, %swap3A_529], %add3A_527 {strides = array<i32>} : memref<88x2624xf32, #tpu.memory_space<vmem>>, vector<88x82xf32>,
    %get3A_531 = arith.constant 0 : index
    %get3A_532 = arith.constant 2106 : index
    %get3A_533 = vector.load %arg3[%get3A_531, %get3A_532] : memref<88x2624xf32, #tpu.memory_space<vmem>>, vector<88x82xf32>
    %get3A_534 = arith.constant 0 : index
    %get3A_535 = arith.constant 1722 : index
    %get3A_536 = vector.load %arg1[%get3A_534, %get3A_535] : memref<88x2624xf32, #tpu.memory_space<vmem>>, vector<88x82xf32>
    %add3A_537 = arith.addf %get3A_533, %get3A_536 : vector<88x82xf32>
    %swap3A_538 = arith.constant 0 : index
    %swap3A_539 = arith.constant 2106 : index
    %swap3A_540 = vector.load %arg3[%swap3A_538, %swap3A_539] : memref<88x2624xf32, #tpu.memory_space<vmem>>, vector<88x82xf32>
    tpu.vector_store %arg3[%swap3A_538, %swap3A_539], %add3A_537 {strides = array<i32>} : memref<88x2624xf32, #tpu.memory_space<vmem>>, vector<88x82xf32>,
    %get3A_541 = arith.constant 0 : index
    %get3A_542 = arith.constant 2187 : index
    %get3A_543 = vector.load %arg3[%get3A_541, %get3A_542] : memref<88x2624xf32, #tpu.memory_space<vmem>>, vector<88x82xf32>
    %get3A_544 = arith.constant 0 : index
    %get3A_545 = arith.constant 1804 : index
    %get3A_546 = vector.load %arg1[%get3A_544, %get3A_545] : memref<88x2624xf32, #tpu.memory_space<vmem>>, vector<88x82xf32>
    %add3A_547 = arith.addf %get3A_543, %get3A_546 : vector<88x82xf32>
    %swap3A_548 = arith.constant 0 : index
    %swap3A_549 = arith.constant 2187 : index
    %swap3A_550 = vector.load %arg3[%swap3A_548, %swap3A_549] : memref<88x2624xf32, #tpu.memory_space<vmem>>, vector<88x82xf32>
    tpu.vector_store %arg3[%swap3A_548, %swap3A_549], %add3A_547 {strides = array<i32>} : memref<88x2624xf32, #tpu.memory_space<vmem>>, vector<88x82xf32>,
    %get3A_551 = arith.constant 0 : index
    %get3A_552 = arith.constant 2187 : index
    %get3A_553 = vector.load %arg3[%get3A_551, %get3A_552] : memref<88x2624xf32, #tpu.memory_space<vmem>>, vector<88x82xf32>
    %get3A_554 = arith.constant 0 : index
    %get3A_555 = arith.constant 1886 : index
    %get3A_556 = vector.load %arg1[%get3A_554, %get3A_555] : memref<88x2624xf32, #tpu.memory_space<vmem>>, vector<88x82xf32>
    %add3A_557 = arith.addf %get3A_553, %get3A_556 : vector<88x82xf32>
    %swap3A_558 = arith.constant 0 : index
    %swap3A_559 = arith.constant 2187 : index
    %swap3A_560 = vector.load %arg3[%swap3A_558, %swap3A_559] : memref<88x2624xf32, #tpu.memory_space<vmem>>, vector<88x82xf32>
    tpu.vector_store %arg3[%swap3A_558, %swap3A_559], %add3A_557 {strides = array<i32>} : memref<88x2624xf32, #tpu.memory_space<vmem>>, vector<88x82xf32>,
    %get3A_561 = arith.constant 0 : index
    %get3A_562 = arith.constant 2268 : index
    %get3A_563 = vector.load %arg3[%get3A_561, %get3A_562] : memref<88x2624xf32, #tpu.memory_space<vmem>>, vector<88x82xf32>
    %get3A_564 = arith.constant 0 : index
    %get3A_565 = arith.constant 1968 : index
    %get3A_566 = vector.load %arg1[%get3A_564, %get3A_565] : memref<88x2624xf32, #tpu.memory_space<vmem>>, vector<88x82xf32>
    %add3A_567 = arith.addf %get3A_563, %get3A_566 : vector<88x82xf32>
    %swap3A_568 = arith.constant 0 : index
    %swap3A_569 = arith.constant 2268 : index
    %swap3A_570 = vector.load %arg3[%swap3A_568, %swap3A_569] : memref<88x2624xf32, #tpu.memory_space<vmem>>, vector<88x82xf32>
    tpu.vector_store %arg3[%swap3A_568, %swap3A_569], %add3A_567 {strides = array<i32>} : memref<88x2624xf32, #tpu.memory_space<vmem>>, vector<88x82xf32>,
    %get3A_571 = arith.constant 0 : index
    %get3A_572 = arith.constant 2268 : index
    %get3A_573 = vector.load %arg3[%get3A_571, %get3A_572] : memref<88x2624xf32, #tpu.memory_space<vmem>>, vector<88x82xf32>
    %get3A_574 = arith.constant 0 : index
    %get3A_575 = arith.constant 2050 : index
    %get3A_576 = vector.load %arg1[%get3A_574, %get3A_575] : memref<88x2624xf32, #tpu.memory_space<vmem>>, vector<88x82xf32>
    %add3A_577 = arith.addf %get3A_573, %get3A_576 : vector<88x82xf32>
    %swap3A_578 = arith.constant 0 : index
    %swap3A_579 = arith.constant 2268 : index
    %swap3A_580 = vector.load %arg3[%swap3A_578, %swap3A_579] : memref<88x2624xf32, #tpu.memory_space<vmem>>, vector<88x82xf32>
    tpu.vector_store %arg3[%swap3A_578, %swap3A_579], %add3A_577 {strides = array<i32>} : memref<88x2624xf32, #tpu.memory_space<vmem>>, vector<88x82xf32>,
    %get3A_581 = arith.constant 0 : index
    %get3A_582 = arith.constant 2349 : index
    %get3A_583 = vector.load %arg3[%get3A_581, %get3A_582] : memref<88x2624xf32, #tpu.memory_space<vmem>>, vector<88x82xf32>
    %get3A_584 = arith.constant 0 : index
    %get3A_585 = arith.constant 2132 : index
    %get3A_586 = vector.load %arg1[%get3A_584, %get3A_585] : memref<88x2624xf32, #tpu.memory_space<vmem>>, vector<88x82xf32>
    %add3A_587 = arith.addf %get3A_583, %get3A_586 : vector<88x82xf32>
    %swap3A_588 = arith.constant 0 : index
    %swap3A_589 = arith.constant 2349 : index
    %swap3A_590 = vector.load %arg3[%swap3A_588, %swap3A_589] : memref<88x2624xf32, #tpu.memory_space<vmem>>, vector<88x82xf32>
    tpu.vector_store %arg3[%swap3A_588, %swap3A_589], %add3A_587 {strides = array<i32>} : memref<88x2624xf32, #tpu.memory_space<vmem>>, vector<88x82xf32>,
    %get3A_591 = arith.constant 0 : index
    %get3A_592 = arith.constant 2349 : index
    %get3A_593 = vector.load %arg3[%get3A_591, %get3A_592] : memref<88x2624xf32, #tpu.memory_space<vmem>>, vector<88x82xf32>
    %get3A_594 = arith.constant 0 : index
    %get3A_595 = arith.constant 2214 : index
    %get3A_596 = vector.load %arg1[%get3A_594, %get3A_595] : memref<88x2624xf32, #tpu.memory_space<vmem>>, vector<88x82xf32>
    %add3A_597 = arith.addf %get3A_593, %get3A_596 : vector<88x82xf32>
    %swap3A_598 = arith.constant 0 : index
    %swap3A_599 = arith.constant 2349 : index
    %swap3A_600 = vector.load %arg3[%swap3A_598, %swap3A_599] : memref<88x2624xf32, #tpu.memory_space<vmem>>, vector<88x82xf32>
    tpu.vector_store %arg3[%swap3A_598, %swap3A_599], %add3A_597 {strides = array<i32>} : memref<88x2624xf32, #tpu.memory_space<vmem>>, vector<88x82xf32>,
    %get3A_601 = arith.constant 0 : index
    %get3A_602 = arith.constant 2430 : index
    %get3A_603 = vector.load %arg3[%get3A_601, %get3A_602] : memref<88x2624xf32, #tpu.memory_space<vmem>>, vector<88x82xf32>
    %get3A_604 = arith.constant 0 : index
    %get3A_605 = arith.constant 2296 : index
    %get3A_606 = vector.load %arg1[%get3A_604, %get3A_605] : memref<88x2624xf32, #tpu.memory_space<vmem>>, vector<88x82xf32>
    %add3A_607 = arith.addf %get3A_603, %get3A_606 : vector<88x82xf32>
    %swap3A_608 = arith.constant 0 : index
    %swap3A_609 = arith.constant 2430 : index
    %swap3A_610 = vector.load %arg3[%swap3A_608, %swap3A_609] : memref<88x2624xf32, #tpu.memory_space<vmem>>, vector<88x82xf32>
    tpu.vector_store %arg3[%swap3A_608, %swap3A_609], %add3A_607 {strides = array<i32>} : memref<88x2624xf32, #tpu.memory_space<vmem>>, vector<88x82xf32>,
    %get3A_611 = arith.constant 0 : index
    %get3A_612 = arith.constant 2430 : index
    %get3A_613 = vector.load %arg3[%get3A_611, %get3A_612] : memref<88x2624xf32, #tpu.memory_space<vmem>>, vector<88x82xf32>
    %get3A_614 = arith.constant 0 : index
    %get3A_615 = arith.constant 2378 : index
    %get3A_616 = vector.load %arg1[%get3A_614, %get3A_615] : memref<88x2624xf32, #tpu.memory_space<vmem>>, vector<88x82xf32>
    %add3A_617 = arith.addf %get3A_613, %get3A_616 : vector<88x82xf32>
    %swap3A_618 = arith.constant 0 : index
    %swap3A_619 = arith.constant 2430 : index
    %swap3A_620 = vector.load %arg3[%swap3A_618, %swap3A_619] : memref<88x2624xf32, #tpu.memory_space<vmem>>, vector<88x82xf32>
    tpu.vector_store %arg3[%swap3A_618, %swap3A_619], %add3A_617 {strides = array<i32>} : memref<88x2624xf32, #tpu.memory_space<vmem>>, vector<88x82xf32>,
    %get3A_621 = arith.constant 0 : index
    %get3A_622 = arith.constant 2511 : index
    %get3A_623 = vector.load %arg3[%get3A_621, %get3A_622] : memref<88x2624xf32, #tpu.memory_space<vmem>>, vector<88x82xf32>
    %get3A_624 = arith.constant 0 : index
    %get3A_625 = arith.constant 2460 : index
    %get3A_626 = vector.load %arg1[%get3A_624, %get3A_625] : memref<88x2624xf32, #tpu.memory_space<vmem>>, vector<88x82xf32>
    %add3A_627 = arith.addf %get3A_623, %get3A_626 : vector<88x82xf32>
    %swap3A_628 = arith.constant 0 : index
    %swap3A_629 = arith.constant 2511 : index
    %swap3A_630 = vector.load %arg3[%swap3A_628, %swap3A_629] : memref<88x2624xf32, #tpu.memory_space<vmem>>, vector<88x82xf32>
    tpu.vector_store %arg3[%swap3A_628, %swap3A_629], %add3A_627 {strides = array<i32>} : memref<88x2624xf32, #tpu.memory_space<vmem>>, vector<88x82xf32>,
    %get3A_631 = arith.constant 0 : index
    %get3A_632 = arith.constant 2511 : index
    %get3A_633 = vector.load %arg3[%get3A_631, %get3A_632] : memref<88x2624xf32, #tpu.memory_space<vmem>>, vector<88x82xf32>
    %get3A_634 = arith.constant 0 : index
    %get3A_635 = arith.constant 2542 : index
    %get3A_636 = vector.load %arg1[%get3A_634, %get3A_635] : memref<88x2624xf32, #tpu.memory_space<vmem>>, vector<88x82xf32>
    %add3A_637 = arith.addf %get3A_633, %get3A_636 : vector<88x82xf32>
    %swap3A_638 = arith.constant 0 : index
    %swap3A_639 = arith.constant 2511 : index
    %swap3A_640 = vector.load %arg3[%swap3A_638, %swap3A_639] : memref<88x2624xf32, #tpu.memory_space<vmem>>, vector<88x82xf32>
    tpu.vector_store %arg3[%swap3A_638, %swap3A_639], %add3A_637 {strides = array<i32>} : memref<88x2624xf32, #tpu.memory_space<vmem>>, vector<88x82xf32>,
    %get3A_641 = arith.constant 0 : index
    %get3A_642 = arith.constant 1 : index
    %get3A_643 = vector.load %arg3[%get3A_641, %get3A_642] : memref<88x2624xf32, #tpu.memory_space<vmem>>, vector<88x2583xf32>
    %reduce_max3A = vector.shape_cast %get3A_643 : vector<88x2583xf32> to vector<1x88x2583xf32>
    %reduce_max3A_644 = arith.constant dense<0xFF800000> : vector<1xf32>
    %reduce_max3A_645 = vector.multi_reduction <maximumf>, %reduce_max3A, %reduce_max3A_644 [1, 2] : vector<1x88x2583xf32> to vector<1xf32>
    %reduce_max3A_646 = vector.shape_cast %reduce_max3A_645 : vector<1xf32> to vector<1x1x1xf32>
    %reduce_max3A_647 = vector.extract %reduce_max3A_646[0, 0, 0] : f32 from vector<1x1x1xf32>
    %max3A = arith.constant 9.99999996E-13 : f32
    %max3A_648 = arith.maximumf %reduce_max3A_647, %max3A : f32
    %div3A = arith.constant 1.000000e+00 : f32
    %div3A_649 = arith.divf %div3A, %max3A_648 : f32
    %get3A_650 = arith.constant 0 : index
    %get3A_651 = arith.constant 1 : index
    %get3A_652 = vector.load %arg3[%get3A_650, %get3A_651] : memref<88x2624xf32, #tpu.memory_space<vmem>>, vector<88x2583xf32>
    %mul3A = vector.broadcast %div3A_649 : f32 to vector<88x2583xf32>
    %mul3A_653 = arith.mulf %get3A_652, %mul3A : vector<88x2583xf32>
    %swap3A_654 = arith.constant 0 : index
    %swap3A_655 = arith.constant 0 : index
    %swap3A_656 = vector.load %arg2[%swap3A_654, %swap3A_655] : memref<88x2584xf32, #tpu.memory_space<vmem>>, vector<88x2583xf32>
    tpu.vector_store %arg2[%swap3A_654, %swap3A_655], %mul3A_653 {strides = array<i32>} : memref<88x2584xf32, #tpu.memory_space<vmem>>, vector<88x2583xf32>,
    %get3A_657 = arith.constant 0 : index
    %get3A_658 = arith.constant 2583 : index
    %get3A_659 = vector.load %arg3[%get3A_657, %get3A_658] : memref<88x2624xf32, #tpu.memory_space<vmem>>, vector<88x1xf32>
    %mul3A_660 = vector.broadcast %div3A_649 : f32 to vector<88x1xf32>
    %mul3A_661 = arith.mulf %get3A_659, %mul3A_660 : vector<88x1xf32>
    %swap3A_662 = arith.constant 0 : index
    %swap3A_663 = arith.constant 2583 : index
    %swap3A_664 = vector.load %arg2[%swap3A_662, %swap3A_663] : memref<88x2584xf32, #tpu.memory_space<vmem>>, vector<88x1xf32>
    tpu.vector_store %arg2[%swap3A_662, %swap3A_663], %mul3A_661 {strides = array<i32>} : memref<88x2584xf32, #tpu.memory_space<vmem>>, vector<88x1xf32>,
    return
  }
}

</mosaic_0001>

<sc_bundles>
// kernel: kernel.10.cloned.1.call-start
scs
__scs_entry_jumppad:
0x0: {  	(pc) =	sbr.rel $0x88, $3  }
0x1: {  	(tag) =	ssettag $0x0;
	lr =	simm.s32 $0x1  }
0x2: {  	[smem:$0x3FA0] =	sst lr;
	_ =	strace $0xD0000000  }
0x3: {  	_ = 	snop  }
0x4: {  	_ = 	snop  }
0x5: {  	_ = 	snop  }
0x6: {  	_ = 	snop  }
0x7: {  	_ = 	snop  }
__scs_overlays_trampoline_lowered:
0x8: {  	[smem:$0x3FAF] =	sst s0  }
0x9: {  	[smem:$0x3FB0] =	sst s1  }
0xa: {  	[smem:$0x3FB1] =	sst s2  }
0xb: {  	[smem:$0x3FB2] =	sst s3  }
0xc: {  	[smem:$0x3FB3] =	sst s4  }
0xd: {  	[smem:$0x3FB4] =	sst s5  }
0xe: {  	[smem:$0x3FB5] =	sst s6  }
0xf: {  	[smem:$0x3FB6] =	sst s7  }
0x10: {  	[smem:$0x3FB7] =	sst s8  }
0x11: {  	[smem:$0x3FB8] =	sst s9;
	s0 =	simm.s32 @!p0 $0x0  }
0x12: {  	s1 =	sld [smem:$0x3F9E];
	s0 =	simm.s32 @p0 $0x1  }
0x13: {  	[smem:$0x3FB9] =	sst s0;
	s0 =	simm.s32 @!p1 $0x0  }
0x14: {  	s2 =	sld [smem:$0x3F9D];
	s0 =	simm.s32 @p1 $0x1  }
0x15: {  	[smem:$0x3FBA] =	sst s0;
	s0 =	simm.s32 @!p2 $0x0  }
0x16: {  	s3 =	sld [smem:$0x3FDB];
	s0 =	simm.s32 @p2 $0x1  }
0x17: {  	s4 =	simm.s32 $0x1BF5;
	[smem:$0x3FBC] =	sst s0  }
0x18: {  	s0 =	sld [smem:$0x3F9F];
	_ =	swait.ge [sflag:s4], $0x0  }
0x19: {  	s7 =	sld [smem:$0x3FA0]  }
0x1a: {  	s8 =	sadd.s32 $0xFFFFE003, lr  }
0x1b: {  	s9 =	sadd.s32 $0xFFFFFEF7, lr;
	s5 =	simm.s32 $0xFFFFFFFF;
	p2 =	slt.u32 s8, $0xFFFFF086  }
0x1c: {  	p1 =	slt.u32 s9, $0xF7A;
	s5 =	simm.s32 @!p2 $0x0  }
0x1d: {  	s5 =	simm.s32 @p1 $0x1;
	p0 =	seq.s32 s7, s2  }
0x1e: {  	s7 =	smul.u32 @!p0 $0xF7A, s2;
	p2 =	seq.s32 @!p0 s5, $0x0  }
0x1f: {  	s9 =	smul.u32 $0xF7A, s1;
	s8 =	simm.s32 @!p0 $0x1BF5;
	p2 =	por !p2, p0  }
0x20: {  	[sflag:s8] =	ssyncset.s32 @!p0 $0xFFFFF086;
	s6 =	sadd.s32 @!p0 s3, s7;
	s7 =	simm.s32 @!p0 $0x108  }
0x21: {  	s3 =	sadd.s32 s3, s9;
	s6 =	sadd.s32 @!p0 $0x88, s6;
	s7 =	simm.s32 @p2 $0x1082  }
0x22: {  	[simem:s7], [sflag:s8] =	dma.local @!p0 [hbm:s6], $0xF7A  }
0x23: {  	s9 =	sor.u32 $0xD0000000, s2;
	s6 =	simm.s32 $0x108;
	_ =	swait.ge @!p0 [sflag:s8], $0x0  }
0x24: {  	s3 =	sadd.s32 $0x88, s3;
	s6 =	simm.s32 @!p1 $0x1082;
	[sflag:s4] =	ssyncset.s32 $0xFFFFF086  }
0x25: {  	[simem:s6], [sflag:s4] =	dma.local [hbm:s3], $0xF7A  }
0x26: {  	[smem:$0x3FA0] =	sst s1;
	(tag) =	ssettag s2;
	_ =	strace s9  }
0x27: {  	s1 =	sld [smem:$0x3FB0]  }
0x28: {  	s2 =	sld [smem:$0x3FB1]  }
0x29: {  	s4 =	sld [smem:$0x3FB3]  }
0x2a: {  	p0 =	seq.s32 s5, $0x0;
	s5 =	sld [smem:$0x3FB4]  }
0x2b: {  	s6 =	sld [smem:$0x3FB5]  }
0x2c: {  	s7 =	sld [smem:$0x3FB6]  }
0x2d: {  	s3 =	simm.s32 $0x108;
	s8 =	sld [smem:$0x3FB7]  }
0x2e: {  	s3 =	simm.s32 @!p0 $0x1082;
	s9 =	sld [smem:$0x3FB8]  }
0x2f: {  	lr =	sadd.s32 s0, s3;
	s0 =	sld [smem:$0x3FAF]  }
0x30: {  	s3 =	sld [smem:$0x3FB2]  }
0x31: {  	[smem:$0x3FBB] =	sst s10  }
0x32: {  	s10 =	sld [smem:$0x3FB9];
	_ =	sdelay $0x3  }
0x33: {  	p0 =	seq.s32 s10, $0x1;
	s10 =	sld [smem:$0x3FBB];
	_ =	sdelay $0x3  }
0x34: {  	[smem:$0x3FBB] =	sst s10  }
0x35: {  	s10 =	sld [smem:$0x3FBA];
	_ =	sdelay $0x3  }
0x36: {  	p1 =	seq.s32 s10, $0x1;
	s10 =	sld [smem:$0x3FBB];
	_ =	sdelay $0x3  }
0x37: {  	[smem:$0x3FBB] =	sst s10  }
0x38: {  	s10 =	sld [smem:$0x3FBC]  }
0x39: {  	_ = 	snop;
	(pc) =	sbr.ind lr, $3  }
0x3a: {  	_ = 	snop  }
0x3b: {  	_ = 	snop  }
0x3c: {  	p2 =	seq.s32 s10, $0x1;
	s10 =	sld [smem:$0x3FBB]  }
0x3d: {  	_ =	shalt  }
0x3e: {  	_ =	shalt  }
0x3f: {  	_ =	shalt  }
0x40: {  	_ =	shalt  }
0x41: {  	_ =	shalt  }
0x42: {  	_ =	shalt  }
0x43: {  	_ =	shalt  }
0x44: {  	_ =	shalt  }
0x45: {  	_ =	shalt  }
0x46: {  	_ =	shalt  }
0x47: {  	_ =	shalt  }
0x48: {  	_ =	shalt  }
0x49: {  	_ =	shalt  }
0x4a: {  	_ =	shalt  }
0x4b: {  	_ =	shalt  }
0x4c: {  	_ =	shalt  }
0x4d: {  	_ =	shalt  }
0x4e: {  	_ =	shalt  }
0x4f: {  	_ =	shalt  }
0x50: {  	_ =	shalt  }
0x51: {  	_ =	shalt  }
0x52: {  	_ =	shalt  }
0x53: {  	_ =	shalt  }
0x54: {  	_ =	shalt  }
0x55: {  	_ =	shalt  }
0x56: {  	_ =	shalt  }
0x57: {  	_ =	shalt  }
0x58: {  	_ =	shalt  }
0x59: {  	_ =	shalt  }
0x5a: {  	_ =	shalt  }
0x5b: {  	_ =	shalt  }
0x5c: {  	_ =	shalt  }
0x5d: {  	_ =	shalt  }
0x5e: {  	_ =	shalt  }
0x5f: {  	_ =	shalt  }
0x60: {  	_ =	shalt  }
0x61: {  	_ =	shalt  }
0x62: {  	_ =	shalt  }
0x63: {  	_ =	shalt  }
0x64: {  	_ =	shalt  }
0x65: {  	_ =	shalt  }
0x66: {  	_ =	shalt  }
0x67: {  	_ =	shalt  }
0x68: {  	_ =	shalt  }
0x69: {  	_ =	shalt  }
0x6a: {  	_ =	shalt  }
0x6b: {  	_ =	shalt  }
0x6c: {  	_ =	shalt  }
0x6d: {  	_ =	shalt  }
0x6e: {  	_ =	shalt  }
0x6f: {  	_ =	shalt  }
0x70: {  	_ =	shalt  }
0x71: {  	_ =	shalt  }
0x72: {  	_ =	shalt  }
0x73: {  	_ =	shalt  }
0x74: {  	_ =	shalt  }
0x75: {  	_ =	shalt  }
0x76: {  	_ =	shalt  }
0x77: {  	_ =	shalt  }
0x78: {  	_ =	shalt  }
0x79: {  	_ =	shalt  }
0x7a: {  	_ =	shalt  }
0x7b: {  	_ =	shalt  }
0x7c: {  	_ =	shalt  }
0x7d: {  	_ =	shalt  }
0x7e: {  	_ =	shalt  }
0x7f: {  	_ =	shalt  }
0x80: {  	_ =	shalt  }
0x81: {  	_ =	shalt  }
0x82: {  	_ =	shalt  }
0x83: {  	_ =	shalt  }
0x84: {  	_ =	shalt  }
0x85: {  	_ =	shalt  }
0x86: {  	_ =	shalt  }
0x87: {  	_ =	shalt  }
.Lfunc_end0:
.L_simem_size_0:
called_computation.1_lowered:
.L_overlay_start_0:
0x88: {  	s2 =	sld [smem:$0x3FD9]  }
0x89: {  	s3 =	sld [smem:$0x3FFE];
	_ =	sdelay $0x1  }
0x8a: {  	s1 =	srdreg.scid  }
0x8b: {  	s0 =	sand.u32 $0x1, s1  }
0x8c: {  	s16 =	sshll.u32 s0, $0xA;
	s2 =	sadd.s32 s3, s2  }
0x8d: {  	s2 =	sadd.s32 s2, s16  }
0x8e: {  	[smem:$0x3FC7] =	sst s2  }
0x8f: {  	_ = 	snop  }
0x90: {  	(tm) =	ssettm $0x1  }
0x91: {  	s17 =	sld [smem:$0x3FFB];
	_ =	sdelay $0x3  }
0x92: {  	_ =	strace s17  }
0x93: {  	s2 =	sld [smem:$0x3FFC];
	_ =	sdelay $0x3  }
0x94: {  	_ =	strace s2  }
0x95: {  	s2 =	sld [smem:$0x3FFD];
	_ =	sdelay $0x3  }
0x96: {  	_ =	strace s2  }
0x97: {  	_ =	strace $0x8FFFFFFF  }
0x98: {  	s18 =	sld [smem:$0x3FDB];
	_ =	sdelay $0x1  }
0x99: {  	s19 =	simm.s32 $_scs_section_size  }
0x9a: {  	s4 =	simm.s32 $_size__tile_overlayer_lowered;
	s5 =	simm.s32 $_tile_overlayer_lowered  }
0x9b: {  	s22 =	simm.s32 $0x1BFF;
	s21 =	sshll.u32 s5, $0x1;
	s2 =	sadd.s32 s19, s18  }
0x9c: {  	s6 =	simm.s32 $0x0;
	s20 =	sshll.u32 s4, $0x1;
	s4 =	sadd.s32 s21, s2  }
0x9d: {  	[timem:s6], [sflag:s22] =	dma.local [hbm:s4], s20  }
0x9e: {  	_ =	swait.ge [sflag:s22], s20  }
0x9f: {  	s3 =	ssub.s32 $0x0, s20;
	[sflag:s22] =	ssyncset.done $0x0  }
0xa0: {  	[sflag:s22] =	ssyncadd.s32 s3;
	_ =	sdelay $0x1  }
0xa1: {  	s23 =	simm.s32 $0x1B8B  }
0xa2: {  	_ =	swait.ge [sflag:s23], $0x1  }
0xa3: {  	[sflag:s23] =	ssyncset.done $0x0  }
0xa4: {  	s25 =	simm.s32 $0x1B8E;
	s24 =	sld [smem:$0x3FFE];
	[sflag:s23] =	ssyncadd.s32 $0xFFFFFFFF  }
0xa5: {  	s26 =	simm.s32 $execute0_lowered;
	[smem:$0x3FD2] =	sst s25  }
0xa6: {  	s4 =	sshll.u32 s26, $0x1;
	_ =	strace $0x80000046;
	[dreg:$0x1] =	wrdreg $0xFFFFFFFF  }
0xa7: {  	s28 =	simm.s32 $_size_execute0_lowered;
	s2 =	sadd.s32 s2, s4;
	[dreg:$0x0] =	wrdreg $0x0  }
0xa8: {  	s4 =	sshll.u32 s28, $0x1;
	[dreg:$0x2] =	wrdreg s2  }
0xa9: {  	[dreg:$0x3] =	wrdreg s4  }
0xaa: {  	[dreg:$0x4] =	wrdreg $0xC0  }
0xab: {  	_ =	task [dreg:s6], $0x5FFFF  }
0xac: {  	[dreg:$0x1] =	wrdreg $0xFFFFFFFF  }
0xad: {  	[dreg:$0x0] =	wrdreg $0x60  }
0xae: {  	[dreg:$0x2] =	wrdreg s24  }
0xaf: {  	[dreg:$0x3] =	wrdreg $0xA  }
0xb0: {  	_ =	task.clear_ibuf [dreg:s6], $0x4FFFF;
	_ =	strace $0x90000046  }
0xb1: {  	s29 =	simm.s32 $0xA;
	_ =	strace $0x80000048  }
0xb2: {  	_ =	swait.ge [sflag:s29], $0x1  }
0xb3: {  	[sflag:s29] =	ssyncadd.s32 $0xFFFFFFFF  }
0xb4: {  	_ =	strace $0x90000048  }
0xb5: {  	_ =	sfence  }
0xb6: {  	s30 =	sld [smem:$0x0];
	_ =	sdelay $0x2  }
0xb7: {  	s31 =	sshll.u32 s1, $0xD;
	s1 =	sshrl.u32 s1, $0x2  }
0xb8: {  	s3 =	sand.u32 $0x4000, s31;
	s1 =	sadd.s32 s1, s30  }
0xb9: {  	s0 =	sor.u32 s3, s0;
	s1 =	sshll.u32 s1, $0x11  }
0xba: {  	s0 =	sor.u32 s1, s0  }
0xbb: {  	s0 =	sadd.s32 $0x8F2B, s0  }
0xbc: {  	[sflag:s0] =	ssyncadd.remote.s32 $0x1  }
0xbd: {  	_ =	sfence.sel $0xFFFF  }
0xbe: {  	[dreg:$0x0] =	wrdreg $0xFFFFFFFF;
	(pc) =	sbr.abs _section_cstart, $3  }
0xbf: {  	[dreg:$0x1] =	wrdreg $0xFFFFFFFF  }
0xc0: {  	_ =	task.clear_ibuf [dreg:s6], $0x2FFFF;
	_ =	strace $0x9FFFFFFF  }
0xc1: {  	(tm) =	ssettm $0x7FFFFFFF  }
tec
execute0_lowered:
.L_overlay_start_1:
0x0: {  	(tag) =	ssettag $0x1  }
0x1: {  	s4 =	rddreg [dreg:$0x0]  }
0x2: {  	s0 =	rddreg [dreg:$0x1];
	s3 =	srdreg.scid  }
0x3: {  	s2 =	simm.s32 $0x0;
	s1 =	stileid.u32;
	s7 =	simm.s32 $0x5100  }
0x4: {  	s10 =	simm.s32 $0xA200;
	s11 =	simm.s32 $0x80;
	s12 =	simm.s32 $0x400  }
0x5: {  	s13 =	simm.s32 $0x3;
	s14 =	simm.s32 $0x0;
	s5 =	sand.u32 $0x1, s3  }
0x6: {  	[smem:$0x7FF] =	sst s2;
	s6 =	smul.u32 $0xA200, s1;
	s26 =	sshrl.u32 s1, $0x2  }
0x7: {  	s8 =	sshll.u32 s1, $0x8;
	s3 =	simm.s32 $0x5100;
	p0 =	seq.s32 s5, $0x1  }
0x8: {  	s9 =	smul.u32 $0xE400, s26;
	s28 =	sshll.u32 s5, $0x7;
	s8 =	sand.u32 $0x300, s8  }
0x9: {  	_ =	strace $0x80000047;
	s5 =	ssub.s32 $0x2, s5;
	s7 =	simm.s32 @!p0 $0x0  }
0xa: {  	s8 =	sor.u32 s28, s8;
	s30 =	sshrl.u32 s5, $0x1;
	s6 =	sadd.s32 s7, s6  }
0xb: {  	s29 =	sor.u32 s9, s8;
	s31 =	ssub.s32 s5, s30;
	s6 =	sshrl.u32 s6, $0x3  }
0xc: {  	s8 =	simm.s32 $0x1;
	s7 =	sshrl.u32 s29, $0x3;
	s6 =	sadd.s32 s6, s4  }
0xd: {  	s9 =	simm.s32 $0x2;
	s7 =	sadd.s32 s7, s4;
	s4 =	sadd.s32 $0x1200, s6  }
0xe: {  	v0 =	vimm.f32 $0.0e+00;
	s5 =	sadd.s32 $0x15600, s6;
	s6 =	sadd.s32 $0x29A00, s7;
	s7 =	smax.u32 s31, $0x1  }
.LBB2_1:
0xf: {  	[tilespmem:s2], [sflag:$0x1] =	stream.linear.gather [hbm4b:s4+s2], $0x5100, $0x38;
	[tilespmem:$0xBE80] =	vst v63  }
0x10: {  	s15 =	simm.s32 $0x40;
	s16 =	simm.s32 $0x0  }
0x11: {  	[tilespmem:s3], [sflag:$0x2] =	stream.linear.gather [hbm4b:s5+s2], $0x5100, $0x38;
	[tilespmem:$0xBE80] =	vst v63  }
.LBB2_2:
0x12: {  	p0 =	sne.s32 s15, $0x7080;
	[tilespmem:s16+$0xA200] =	vst v0;
	s16 =	smov.u32 s15;
	s15 =	sadd.s32 $0x40, s15  }
.Ltmp0:
0x13: {  	(pc) =	sbr.rel @p0 .LBB2_2-.Ltmp0, $2  }
0x14: {  	_ =	sdelay $0x2  }
0x15: {  	s16 =	sshra.s32 s16, $0x2  }
0x16: {  	[tilespmem:s16+$0xA200] =	vst v0  }
0x17: {  	_ =	swait.ge [sflag:s8], $0x5100  }
0x18: {  	[sflag:s8] =	ssyncset.done $0x0  }
0x19: {  	[sflag:s8] =	ssyncadd.s32 $0xFFFFAF00  }
0x1a: {  	_ =	swait.ge [sflag:s9], $0x5100  }
0x1b: {  	[sflag:s9] =	ssyncset.done $0x0  }
0x1c: {  	s15 =	simm.s32 $0x0;
	[sflag:s9] =	ssyncadd.s32 $0xFFFFAF00  }
.LBB2_4:
0x1d: {  	s16 =	sshra.s32 s15, $0x2  }
0x1e: {  	v1 =	vld [tilespmem:s16+$0x0];
	_ =	sdelay $0x2  }
0x1f: {  	v2 =	vld [tilespmem:s16+$0x5100];
	_ =	sdelay $0x4  }
0x20: {  	[tilespmem:v1+s10+$0x0] =	vst.idx.add.f32.msk $0xffff, v2  }
0x21: {  	v1 =	vld [tilespmem:s16+$0x10];
	_ =	sdelay $0x2  }
0x22: {  	v2 =	vld [tilespmem:s16+$0x5110];
	_ =	sdelay $0x4  }
0x23: {  	[tilespmem:v1+s10+$0x0] =	vst.idx.add.f32.msk $0xffff, v2  }
0x24: {  	v1 =	vld [tilespmem:s16+$0x20];
	_ =	sdelay $0x2  }
0x25: {  	v2 =	vld [tilespmem:s16+$0x5120];
	_ =	sdelay $0x4  }
0x26: {  	[tilespmem:v1+s10+$0x0] =	vst.idx.add.f32.msk $0xffff, v2  }
0x27: {  	v1 =	vld [tilespmem:s16+$0x30];
	_ =	sdelay $0x2  }
0x28: {  	v2 =	vld [tilespmem:s16+$0x5130];
	_ =	sdelay $0x4  }
0x29: {  	[tilespmem:v1+s10+$0x0] =	vst.idx.add.f32.msk $0xffff, v2  }
0x2a: {  	v1 =	vld [tilespmem:s16+$0x40];
	_ =	sdelay $0x2  }
0x2b: {  	v2 =	vld [tilespmem:s16+$0x5140];
	_ =	sdelay $0x4  }
0x2c: {  	[tilespmem:v1+s10+$0x0] =	vst.idx.add.f32.msk $0xffff, v2  }
0x2d: {  	v1 =	vld [tilespmem:s16+$0x50];
	_ =	sdelay $0x2  }
0x2e: {  	v2 =	vld [tilespmem:s16+$0x5150];
	_ =	sdelay $0x4  }
0x2f: {  	[tilespmem:v1+s10+$0x0] =	vst.idx.add.f32.msk $0xffff, v2  }
0x30: {  	v1 =	vld [tilespmem:s16+$0x60];
	_ =	sdelay $0x2  }
0x31: {  	v2 =	vld [tilespmem:s16+$0x5160];
	_ =	sdelay $0x4  }
0x32: {  	[tilespmem:v1+s10+$0x0] =	vst.idx.add.f32.msk $0xffff, v2  }
0x33: {  	v1 =	vld [tilespmem:s16+$0x70];
	_ =	sdelay $0x2  }
0x34: {  	p0 =	sne.s32 s15, $0x14200;
	v2 =	vld [tilespmem:s16+$0x5170]  }
.Ltmp1:
0x35: {  	_ = 	snop;
	(pc) =	sbr.rel @p0 .LBB2_4-.Ltmp1, $2  }
0x36: {  	_ =	sdelay $0x2  }
0x37: {  	s15 =	sadd.s32 $0x200, s15;
	[tilespmem:v1+s10+$0x0] =	vst.idx.add.f32.msk $0xffff, v2  }
0x38: {  	s14 =	sadd.s32 $0x1, s14  }
0x39: {  	p0 =	sne.s32 s14, s7  }
.Ltmp2:
0x3a: {  	_ = 	snop;
	(pc) =	sbr.rel @p0 .LBB2_1-.Ltmp2, $4  }
0x3b: {  	[hbm4b:s6+s11] =	stream.strided.scatter [tilespmem:s10], [sflag:$0x3], $0x1C80, s12, s11, $0x38;
	[tilespmem:$0xBE80] =	vst v63  }
0x3c: {  	_ =	swait.ge [sflag:s13], $0x1C80  }
0x3d: {  	[sflag:s13] =	ssyncset.done $0x0  }
0x3e: {  	[sflag:s13] =	ssyncadd.s32 $0xFFFFE380  }
0x3f: {  	_ =	sfence.sel $0x180000  }
0x40: {  	[bflag:$0x0] =	sbarrier.arrive $0xFFFF  }
0x41: {  	p0 =	sne.s32 s1, $0x0;
	_ =	strace $0x90000047  }
0x42: {  	s0 =	sadd.s32 @!p0 $0x100000, s0;
	[bflag:$0x2] =	sbarrier.arrive $0xFFFF  }
0x43: {  	[sflag:s0] =	ssyncadd.tile.s32 @!p0 $0x1;
	_ =	shalt  }
.Lfunc_end2:
_tile_overlayer_lowered:
.L_overlay_start_2:
0x44: {  	(tag) =	ssettag $0x2  }
0x45: {  	s0 =	rddreg [dreg:$0x0];
	s2 =	stileid.u32  }
0x46: {  	s1 =	rddreg [dreg:$0x1];
	p0 =	sne.s32 s2, $0x0  }
0x47: {  	s3 =	rddreg [dreg:$0x2];
	[bflag:$0x3] =	sbarrier.arrive $0xFFFF;
	s2 =	simm.s32 @!p0 $0x1C03  }
0x48: {  	[timem:s3], [sflag:s2] =	dma.local @!p0 [hbm:s0], s1  }
0x49: {  	s0 =	simm.s32 @!p0 $0x3  }
0x4a: {  	_ =	swait.ge @!p0 [sflag:s0], s1  }
0x4b: {  	s1 =	ssub.s32 @!p0 $0x0, s1;
	[sflag:s0] =	ssyncset.done @!p0 $0x0  }
0x4c: {  	[sflag:s0] =	ssyncadd.s32 @!p0 s1  }
0x4d: {  	[bflag:$0x3] =	sbarrier.arrive $0xFFFF  }
0x4e: {  	_ =	shalt  }

// kernel: kernel.7.cloned.1.call-start
scs
__scs_entry_jumppad:
0x0: {  	(pc) =	sbr.rel $0x88, $3  }
0x1: {  	(tag) =	ssettag $0x0;
	lr =	simm.s32 $0x1  }
0x2: {  	[smem:$0x3FA0] =	sst lr;
	_ =	strace $0xD0000000  }
0x3: {  	_ = 	snop  }
0x4: {  	_ = 	snop  }
0x5: {  	_ = 	snop  }
0x6: {  	_ = 	snop  }
0x7: {  	_ = 	snop  }
__scs_overlays_trampoline_lowered:
0x8: {  	[smem:$0x3FAF] =	sst s0  }
0x9: {  	[smem:$0x3FB0] =	sst s1  }
0xa: {  	[smem:$0x3FB1] =	sst s2  }
0xb: {  	[smem:$0x3FB2] =	sst s3  }
0xc: {  	[smem:$0x3FB3] =	sst s4  }
0xd: {  	[smem:$0x3FB4] =	sst s5  }
0xe: {  	[smem:$0x3FB5] =	sst s6  }
0xf: {  	[smem:$0x3FB6] =	sst s7  }
0x10: {  	[smem:$0x3FB7] =	sst s8  }
0x11: {  	[smem:$0x3FB8] =	sst s9;
	s0 =	simm.s32 @!p0 $0x0  }
0x12: {  	s1 =	sld [smem:$0x3F9E];
	s0 =	simm.s32 @p0 $0x1  }
0x13: {  	[smem:$0x3FB9] =	sst s0;
	s0 =	simm.s32 @!p1 $0x0  }
0x14: {  	s2 =	sld [smem:$0x3F9D];
	s0 =	simm.s32 @p1 $0x1  }
0x15: {  	[smem:$0x3FBA] =	sst s0;
	s0 =	simm.s32 @!p2 $0x0  }
0x16: {  	s3 =	sld [smem:$0x3FDB];
	s0 =	simm.s32 @p2 $0x1  }
0x17: {  	s4 =	simm.s32 $0x1BF5;
	[smem:$0x3FBC] =	sst s0  }
0x18: {  	s0 =	sld [smem:$0x3F9F];
	_ =	swait.ge [sflag:s4], $0x0  }
0x19: {  	s7 =	sld [smem:$0x3FA0]  }
0x1a: {  	s8 =	sadd.s32 $0xFFFFE003, lr  }
0x1b: {  	s9 =	sadd.s32 $0xFFFFFEF7, lr;
	s5 =	simm.s32 $0xFFFFFFFF;
	p2 =	slt.u32 s8, $0xFFFFF086  }
0x1c: {  	p1 =	slt.u32 s9, $0xF7A;
	s5 =	simm.s32 @!p2 $0x0  }
0x1d: {  	s5 =	simm.s32 @p1 $0x1;
	p0 =	seq.s32 s7, s2  }
0x1e: {  	s7 =	smul.u32 @!p0 $0xF7A, s2;
	p2 =	seq.s32 @!p0 s5, $0x0  }
0x1f: {  	s9 =	smul.u32 $0xF7A, s1;
	s8 =	simm.s32 @!p0 $0x1BF5;
	p2 =	por !p2, p0  }
0x20: {  	[sflag:s8] =	ssyncset.s32 @!p0 $0xFFFFF086;
	s6 =	sadd.s32 @!p0 s3, s7;
	s7 =	simm.s32 @!p0 $0x108  }
0x21: {  	s3 =	sadd.s32 s3, s9;
	s6 =	sadd.s32 @!p0 $0x88, s6;
	s7 =	simm.s32 @p2 $0x1082  }
0x22: {  	[simem:s7], [sflag:s8] =	dma.local @!p0 [hbm:s6], $0xF7A  }
0x23: {  	s9 =	sor.u32 $0xD0000000, s2;
	s6 =	simm.s32 $0x108;
	_ =	swait.ge @!p0 [sflag:s8], $0x0  }
0x24: {  	s3 =	sadd.s32 $0x88, s3;
	s6 =	simm.s32 @!p1 $0x1082;
	[sflag:s4] =	ssyncset.s32 $0xFFFFF086  }
0x25: {  	[simem:s6], [sflag:s4] =	dma.local [hbm:s3], $0xF7A  }
0x26: {  	[smem:$0x3FA0] =	sst s1;
	(tag) =	ssettag s2;
	_ =	strace s9  }
0x27: {  	s1 =	sld [smem:$0x3FB0]  }
0x28: {  	s2 =	sld [smem:$0x3FB1]  }
0x29: {  	s4 =	sld [smem:$0x3FB3]  }
0x2a: {  	p0 =	seq.s32 s5, $0x0;
	s5 =	sld [smem:$0x3FB4]  }
0x2b: {  	s6 =	sld [smem:$0x3FB5]  }
0x2c: {  	s7 =	sld [smem:$0x3FB6]  }
0x2d: {  	s3 =	simm.s32 $0x108;
	s8 =	sld [smem:$0x3FB7]  }
0x2e: {  	s3 =	simm.s32 @!p0 $0x1082;
	s9 =	sld [smem:$0x3FB8]  }
0x2f: {  	lr =	sadd.s32 s0, s3;
	s0 =	sld [smem:$0x3FAF]  }
0x30: {  	s3 =	sld [smem:$0x3FB2]  }
0x31: {  	[smem:$0x3FBB] =	sst s10  }
0x32: {  	s10 =	sld [smem:$0x3FB9];
	_ =	sdelay $0x3  }
0x33: {  	p0 =	seq.s32 s10, $0x1;
	s10 =	sld [smem:$0x3FBB];
	_ =	sdelay $0x3  }
0x34: {  	[smem:$0x3FBB] =	sst s10  }
0x35: {  	s10 =	sld [smem:$0x3FBA];
	_ =	sdelay $0x3  }
0x36: {  	p1 =	seq.s32 s10, $0x1;
	s10 =	sld [smem:$0x3FBB];
	_ =	sdelay $0x3  }
0x37: {  	[smem:$0x3FBB] =	sst s10  }
0x38: {  	s10 =	sld [smem:$0x3FBC]  }
0x39: {  	_ = 	snop;
	(pc) =	sbr.ind lr, $3  }
0x3a: {  	_ = 	snop  }
0x3b: {  	_ = 	snop  }
0x3c: {  	p2 =	seq.s32 s10, $0x1;
	s10 =	sld [smem:$0x3FBB]  }
0x3d: {  	_ =	shalt  }
0x3e: {  	_ =	shalt  }
0x3f: {  	_ =	shalt  }
0x40: {  	_ =	shalt  }
0x41: {  	_ =	shalt  }
0x42: {  	_ =	shalt  }
0x43: {  	_ =	shalt  }
0x44: {  	_ =	shalt  }
0x45: {  	_ =	shalt  }
0x46: {  	_ =	shalt  }
0x47: {  	_ =	shalt  }
0x48: {  	_ =	shalt  }
0x49: {  	_ =	shalt  }
0x4a: {  	_ =	shalt  }
0x4b: {  	_ =	shalt  }
0x4c: {  	_ =	shalt  }
0x4d: {  	_ =	shalt  }
0x4e: {  	_ =	shalt  }
0x4f: {  	_ =	shalt  }
0x50: {  	_ =	shalt  }
0x51: {  	_ =	shalt  }
0x52: {  	_ =	shalt  }
0x53: {  	_ =	shalt  }
0x54: {  	_ =	shalt  }
0x55: {  	_ =	shalt  }
0x56: {  	_ =	shalt  }
0x57: {  	_ =	shalt  }
0x58: {  	_ =	shalt  }
0x59: {  	_ =	shalt  }
0x5a: {  	_ =	shalt  }
0x5b: {  	_ =	shalt  }
0x5c: {  	_ =	shalt  }
0x5d: {  	_ =	shalt  }
0x5e: {  	_ =	shalt  }
0x5f: {  	_ =	shalt  }
0x60: {  	_ =	shalt  }
0x61: {  	_ =	shalt  }
0x62: {  	_ =	shalt  }
0x63: {  	_ =	shalt  }
0x64: {  	_ =	shalt  }
0x65: {  	_ =	shalt  }
0x66: {  	_ =	shalt  }
0x67: {  	_ =	shalt  }
0x68: {  	_ =	shalt  }
0x69: {  	_ =	shalt  }
0x6a: {  	_ =	shalt  }
0x6b: {  	_ =	shalt  }
0x6c: {  	_ =	shalt  }
0x6d: {  	_ =	shalt  }
0x6e: {  	_ =	shalt  }
0x6f: {  	_ =	shalt  }
0x70: {  	_ =	shalt  }
0x71: {  	_ =	shalt  }
0x72: {  	_ =	shalt  }
0x73: {  	_ =	shalt  }
0x74: {  	_ =	shalt  }
0x75: {  	_ =	shalt  }
0x76: {  	_ =	shalt  }
0x77: {  	_ =	shalt  }
0x78: {  	_ =	shalt  }
0x79: {  	_ =	shalt  }
0x7a: {  	_ =	shalt  }
0x7b: {  	_ =	shalt  }
0x7c: {  	_ =	shalt  }
0x7d: {  	_ =	shalt  }
0x7e: {  	_ =	shalt  }
0x7f: {  	_ =	shalt  }
0x80: {  	_ =	shalt  }
0x81: {  	_ =	shalt  }
0x82: {  	_ =	shalt  }
0x83: {  	_ =	shalt  }
0x84: {  	_ =	shalt  }
0x85: {  	_ =	shalt  }
0x86: {  	_ =	shalt  }
0x87: {  	_ =	shalt  }
.Lfunc_end0:
.L_simem_size_0:
called_computation_lowered:
.L_overlay_start_0:
0x88: {  	s2 =	sld [smem:$0x3FD9]  }
0x89: {  	s3 =	sld [smem:$0x3FFE];
	_ =	sdelay $0x1  }
0x8a: {  	s1 =	srdreg.scid  }
0x8b: {  	s0 =	sand.u32 $0x1, s1  }
0x8c: {  	s17 =	sshll.u32 s0, $0xA;
	s2 =	sadd.s32 s3, s2  }
0x8d: {  	s2 =	sadd.s32 s2, s17  }
0x8e: {  	[smem:$0x3FC7] =	sst s2  }
0x8f: {  	_ = 	snop  }
0x90: {  	s18 =	sld [smem:$0x3FD0];
	(tm) =	ssettm $0x1  }
0x91: {  	s19 =	sld [smem:$0x3FFB];
	_ =	sdelay $0x3  }
0x92: {  	_ =	strace s19  }
0x93: {  	s2 =	sld [smem:$0x3FFC];
	_ =	sdelay $0x3  }
0x94: {  	_ =	strace s2  }
0x95: {  	s2 =	sld [smem:$0x3FFD];
	_ =	sdelay $0x3  }
0x96: {  	_ =	strace s2  }
0x97: {  	_ =	strace $0x8FFFFFFF  }
0x98: {  	s20 =	sld [smem:$0x3FDB];
	_ =	sdelay $0x1  }
0x99: {  	s4 =	simm.s32 $_scs_section_size  }
0x9a: {  	s5 =	simm.s32 $_size__tile_overlayer_lowered;
	s6 =	simm.s32 $_tile_overlayer_lowered  }
0x9b: {  	s7 =	simm.s32 $0x1BFF;
	s21 =	sshll.u32 s6, $0x1;
	s4 =	sadd.s32 s4, s20  }
0x9c: {  	s22 =	simm.s32 $0x0;
	s5 =	sshll.u32 s5, $0x1;
	s6 =	sadd.s32 s21, s4  }
0x9d: {  	[timem:s22], [sflag:s7] =	dma.local [hbm:s6], s5  }
0x9e: {  	_ =	swait.ge [sflag:s7], s5  }
0x9f: {  	s5 =	ssub.s32 $0x0, s5;
	[sflag:s7] =	ssyncset.done $0x0  }
0xa0: {  	[sflag:s7] =	ssyncadd.s32 s5;
	_ =	sdelay $0x1  }
0xa1: {  	s23 =	simm.s32 $0x1B8B  }
0xa2: {  	_ =	swait.ge [sflag:s23], $0x1  }
0xa3: {  	[sflag:s23] =	ssyncset.done $0x0  }
0xa4: {  	[sflag:s23] =	ssyncadd.s32 $0xFFFFFFFF  }
0xa5: {  	s5 =	sld [smem:$0x0]  }
0xa6: {  	s6 =	sand.u32 $0xFFFFFFFE, s1  }
0xa7: {  	p0 =	sne.s32 s1, s6  }
0xa8: {  	s6 =	sshll.u32 @p0 s6, $0xE  }
0xa9: {  	s6 =	sadd.s32 @p0 $0x11B8D, s6;
	s7 =	sshll.u32 @p0 s5, $0x11  }
0xaa: {  	s6 =	sor.u32 @p0 s7, s6  }
0xab: {  	[sflag:s6] =	ssyncadd.remote.s32 @p0 $0x1;
	_ =	sdelay $0x1  }
0xac: {  	s6 =	simm.s32 @p0 $0x1B8D  }
0xad: {  	_ =	swait.eq @p0 [sflag:s6], $0x1  }
0xae: {  	[sflag:s6] =	ssyncadd.s32 @p0 $0xFFFFFFFF  }
0xaf: {  	s7 =	sshll.u32 @!p0 s1, $0xE  }
0xb0: {  	s7 =	sor.u32 @!p0 $0x4000, s7;
	s6 =	simm.s32 @!p0 $0x1B8D  }
0xb1: {  	s5 =	sshll.u32 @!p0 s5, $0x11;
	s7 =	sadd.s32 @!p0 $0x11B8D, s7;
	_ =	swait.eq @!p0 [sflag:s6], $0x1  }
0xb2: {  	s5 =	sor.u32 @!p0 s5, s7;
	[sflag:s6] =	ssyncadd.s32 @!p0 $0xFFFFFFFF  }
0xb3: {  	s25 =	simm.s32 $0x1B8E;
	s24 =	sld [smem:$0x3FFE];
	[sflag:s5] =	ssyncadd.remote.s32 @!p0 $0x1  }
0xb4: {  	s26 =	simm.s32 $execute0_lowered;
	[smem:$0x3FD2] =	sst s25  }
0xb5: {  	s6 =	sshll.u32 s26, $0x1;
	_ =	strace $0x80000049;
	[dreg:$0x1] =	wrdreg $0xFFFFFFFF  }
0xb6: {  	s28 =	simm.s32 $_size_execute0_lowered;
	s4 =	sadd.s32 s4, s6;
	[dreg:$0x0] =	wrdreg $0x0  }
0xb7: {  	s6 =	sshll.u32 s28, $0x1;
	[dreg:$0x2] =	wrdreg s4  }
0xb8: {  	[dreg:$0x3] =	wrdreg s6  }
0xb9: {  	[dreg:$0x4] =	wrdreg $0xC0  }
0xba: {  	_ =	task [dreg:s22], $0x5FFFF  }
0xbb: {  	[dreg:$0x1] =	wrdreg $0xFFFFFFFF  }
0xbc: {  	[dreg:$0x0] =	wrdreg $0x60  }
0xbd: {  	[dreg:$0x2] =	wrdreg s24  }
0xbe: {  	[dreg:$0x3] =	wrdreg s18  }
0xbf: {  	[dreg:$0x4] =	wrdreg $0x9  }
0xc0: {  	_ =	task.clear_ibuf [dreg:s22], $0x5FFFF;
	_ =	strace $0x90000049  }
0xc1: {  	s29 =	simm.s32 $0x9;
	_ =	strace $0x8000004B  }
0xc2: {  	_ =	swait.ge [sflag:s29], $0x1  }
0xc3: {  	[sflag:s29] =	ssyncadd.s32 $0xFFFFFFFF  }
0xc4: {  	_ =	strace $0x9000004B  }
0xc5: {  	_ =	sfence  }
0xc6: {  	s30 =	sld [smem:$0x0];
	_ =	sdelay $0x2  }
0xc7: {  	s31 =	sshll.u32 s1, $0xD;
	s1 =	sshrl.u32 s1, $0x2  }
0xc8: {  	s4 =	sand.u32 $0x4000, s31;
	s1 =	sadd.s32 s1, s30  }
0xc9: {  	s0 =	sor.u32 s4, s0;
	s1 =	sshll.u32 s1, $0x11  }
0xca: {  	s0 =	sor.u32 s1, s0  }
0xcb: {  	s0 =	sadd.s32 $0x8F2B, s0  }
0xcc: {  	[sflag:s0] =	ssyncadd.remote.s32 $0x1  }
0xcd: {  	_ =	sfence.sel $0xFFFF  }
0xce: {  	[dreg:$0x0] =	wrdreg $0xFFFFFFFF;
	(pc) =	sbr.abs _section_cstart, $3  }
0xcf: {  	[dreg:$0x1] =	wrdreg $0xFFFFFFFF  }
0xd0: {  	_ =	task.clear_ibuf [dreg:s22], $0x2FFFF;
	_ =	strace $0x9FFFFFFF  }
0xd1: {  	(tm) =	ssettm $0x7FFFFFFF  }
tec
execute0_lowered:
.L_overlay_start_1:
0x0: {  	(tag) =	ssettag $0x1  }
0x1: {  	s4 =	rddreg [dreg:$0x0]  }
0x2: {  	s6 =	rddreg [dreg:$0x1]  }
0x3: {  	s0 =	rddreg [dreg:$0x2]  }
0x4: {  	s3 =	srdreg.scid;
	s2 =	simm.s32 $0x0;
	s1 =	stileid.u32  }
0x5: {  	s8 =	simm.s32 $0x5100;
	s12 =	simm.s32 $0x400;
	s13 =	simm.s32 $0x3  }
0x6: {  	s14 =	simm.s32 $0x0;
	s5 =	sand.u32 $0x1, s3;
	s7 =	smul.u32 $0xA200, s1  }
0x7: {  	[smem:$0x7FF] =	sst s2;
	s3 =	simm.s32 $0x5100;
	s9 =	sshrl.u32 s1, $0x2  }
0x8: {  	s10 =	sshll.u32 s1, $0x8;
	p0 =	seq.s32 s5, $0x1;
	_ =	strace $0x8000004A  }
0x9: {  	s30 =	ssub.s32 $0x2, s5;
	s9 =	smul.u32 $0xE400, s9;
	s5 =	sshll.u32 s5, $0x7  }
0xa: {  	s10 =	sand.u32 $0x300, s10;
	s8 =	simm.s32 @!p0 $0x0;
	s11 =	sshrl.u32 s30, $0x1  }
0xb: {  	s5 =	sor.u32 s5, s10;
	s10 =	simm.s32 $0xA200;
	s7 =	sadd.s32 s8, s7  }
0xc: {  	s8 =	ssub.s32 s30, s11;
	s9 =	sor.u32 s9, s5;
	s7 =	sshrl.u32 s7, $0x3  }
0xd: {  	s11 =	simm.s32 $0x80;
	s31 =	sshrl.u32 s9, $0x3;
	s7 =	sadd.s32 s7, s4  }
0xe: {  	s9 =	simm.s32 $0x2;
	s6 =	sadd.s32 s6, s31;
	s4 =	sadd.s32 $0x30C00, s7  }
0xf: {  	v0 =	vimm.f32 $0.0e+00;
	s5 =	sadd.s32 $0x45000, s7;
	s7 =	smax.u32 s8, $0x1;
	s8 =	simm.s32 $0x1  }
.LBB2_1:
0x10: {  	[tilespmem:s2], [sflag:$0x1] =	stream.linear.gather [hbm4b:s4+s2], $0x5100, $0x38;
	[tilespmem:$0xBE80] =	vst v63  }
0x11: {  	s15 =	simm.s32 $0x40;
	s16 =	simm.s32 $0x0  }
0x12: {  	[tilespmem:s3], [sflag:$0x2] =	stream.linear.gather [hbm4b:s5+s2], $0x5100, $0x38;
	[tilespmem:$0xBE80] =	vst v63  }
.LBB2_2:
0x13: {  	p0 =	sne.s32 s15, $0x7080;
	[tilespmem:s16+$0xA200] =	vst v0;
	s16 =	smov.u32 s15;
	s15 =	sadd.s32 $0x40, s15  }
.Ltmp0:
0x14: {  	(pc) =	sbr.rel @p0 .LBB2_2-.Ltmp0, $2  }
0x15: {  	_ =	sdelay $0x2  }
0x16: {  	s16 =	sshra.s32 s16, $0x2  }
0x17: {  	[tilespmem:s16+$0xA200] =	vst v0  }
0x18: {  	_ =	swait.ge [sflag:s8], $0x5100  }
0x19: {  	[sflag:s8] =	ssyncset.done $0x0  }
0x1a: {  	[sflag:s8] =	ssyncadd.s32 $0xFFFFAF00  }
0x1b: {  	_ =	swait.ge [sflag:s9], $0x5100  }
0x1c: {  	[sflag:s9] =	ssyncset.done $0x0  }
0x1d: {  	s15 =	simm.s32 $0x0;
	[sflag:s9] =	ssyncadd.s32 $0xFFFFAF00  }
.LBB2_4:
0x1e: {  	s16 =	sshra.s32 s15, $0x2  }
0x1f: {  	v1 =	vld [tilespmem:s16+$0x0];
	_ =	sdelay $0x2  }
0x20: {  	v2 =	vld [tilespmem:s16+$0x5100];
	_ =	sdelay $0x4  }
0x21: {  	[tilespmem:v1+s10+$0x0] =	vst.idx.add.f32.msk $0xffff, v2  }
0x22: {  	v1 =	vld [tilespmem:s16+$0x10];
	_ =	sdelay $0x2  }
0x23: {  	v2 =	vld [tilespmem:s16+$0x5110];
	_ =	sdelay $0x4  }
0x24: {  	[tilespmem:v1+s10+$0x0] =	vst.idx.add.f32.msk $0xffff, v2  }
0x25: {  	v1 =	vld [tilespmem:s16+$0x20];
	_ =	sdelay $0x2  }
0x26: {  	v2 =	vld [tilespmem:s16+$0x5120];
	_ =	sdelay $0x4  }
0x27: {  	[tilespmem:v1+s10+$0x0] =	vst.idx.add.f32.msk $0xffff, v2  }
0x28: {  	v1 =	vld [tilespmem:s16+$0x30];
	_ =	sdelay $0x2  }
0x29: {  	v2 =	vld [tilespmem:s16+$0x5130];
	_ =	sdelay $0x4  }
0x2a: {  	[tilespmem:v1+s10+$0x0] =	vst.idx.add.f32.msk $0xffff, v2  }
0x2b: {  	v1 =	vld [tilespmem:s16+$0x40];
	_ =	sdelay $0x2  }
0x2c: {  	v2 =	vld [tilespmem:s16+$0x5140];
	_ =	sdelay $0x4  }
0x2d: {  	[tilespmem:v1+s10+$0x0] =	vst.idx.add.f32.msk $0xffff, v2  }
0x2e: {  	v1 =	vld [tilespmem:s16+$0x50];
	_ =	sdelay $0x2  }
0x2f: {  	v2 =	vld [tilespmem:s16+$0x5150];
	_ =	sdelay $0x4  }
0x30: {  	[tilespmem:v1+s10+$0x0] =	vst.idx.add.f32.msk $0xffff, v2  }
0x31: {  	v1 =	vld [tilespmem:s16+$0x60];
	_ =	sdelay $0x2  }
0x32: {  	v2 =	vld [tilespmem:s16+$0x5160];
	_ =	sdelay $0x4  }
0x33: {  	[tilespmem:v1+s10+$0x0] =	vst.idx.add.f32.msk $0xffff, v2  }
0x34: {  	v1 =	vld [tilespmem:s16+$0x70];
	_ =	sdelay $0x2  }
0x35: {  	p0 =	sne.s32 s15, $0x14200;
	v2 =	vld [tilespmem:s16+$0x5170]  }
.Ltmp1:
0x36: {  	_ = 	snop;
	(pc) =	sbr.rel @p0 .LBB2_4-.Ltmp1, $2  }
0x37: {  	_ =	sdelay $0x2  }
0x38: {  	s15 =	sadd.s32 $0x200, s15;
	[tilespmem:v1+s10+$0x0] =	vst.idx.add.f32.msk $0xffff, v2  }
0x39: {  	s14 =	sadd.s32 $0x1, s14  }
0x3a: {  	p0 =	sne.s32 s14, s7  }
.Ltmp2:
0x3b: {  	_ = 	snop;
	(pc) =	sbr.rel @p0 .LBB2_1-.Ltmp2, $4  }
0x3c: {  	[hbm4b:s6+s11] =	stream.strided.scatter [tilespmem:s10], [sflag:$0x3], $0x1C80, s12, s11, $0x38;
	[tilespmem:$0xBE80] =	vst v63  }
0x3d: {  	_ =	swait.ge [sflag:s13], $0x1C80  }
0x3e: {  	[sflag:s13] =	ssyncset.done $0x0  }
0x3f: {  	[sflag:s13] =	ssyncadd.s32 $0xFFFFE380  }
0x40: {  	_ =	sfence.sel $0x180000  }
0x41: {  	[bflag:$0x0] =	sbarrier.arrive $0xFFFF  }
0x42: {  	p0 =	sne.s32 s1, $0x0;
	_ =	strace $0x9000004A  }
0x43: {  	s0 =	sadd.s32 @!p0 $0x100000, s0;
	[bflag:$0x2] =	sbarrier.arrive $0xFFFF  }
0x44: {  	[sflag:s0] =	ssyncadd.tile.s32 @!p0 $0x1;
	_ =	shalt  }
.Lfunc_end2:
_tile_overlayer_lowered:
.L_overlay_start_2:
0x45: {  	(tag) =	ssettag $0x2  }
0x46: {  	s0 =	rddreg [dreg:$0x0];
	s2 =	stileid.u32  }
0x47: {  	s1 =	rddreg [dreg:$0x1];
	p0 =	sne.s32 s2, $0x0  }
0x48: {  	s3 =	rddreg [dreg:$0x2];
	[bflag:$0x3] =	sbarrier.arrive $0xFFFF;
	s2 =	simm.s32 @!p0 $0x1C03  }
0x49: {  	[timem:s3], [sflag:s2] =	dma.local @!p0 [hbm:s0], s1  }
0x4a: {  	s0 =	simm.s32 @!p0 $0x3  }
0x4b: {  	_ =	swait.ge @!p0 [sflag:s0], s1  }
0x4c: {  	s1 =	ssub.s32 @!p0 $0x0, s1;
	[sflag:s0] =	ssyncset.done @!p0 $0x0  }
0x4d: {  	[sflag:s0] =	ssyncadd.s32 @!p0 s1  }
0x4e: {  	[bflag:$0x3] =	sbarrier.arrive $0xFFFF  }
0x4f: {  	_ =	shalt  }

</sc_bundles>
